<compile_context>
chip_gen: v7x
topology: tpu7x:2x2x1
jax: 0.10.2.dev20260603
libtpu: 0.0.44.dev20260713+nightly
codegen_flags: <defaults>
</compile_context>

<pallas_src>
import functools

import jax
import jax.numpy as jnp
from jax import lax
from jax.experimental import pallas as pl
from jax.experimental.pallas import tpu as pltpu
from jax.experimental.pallas import tpu_sc as plsc

_CENTER_VAR = 0.1
_SIZE_VAR = 0.2
_NUM_CLASSES = 21
_TOP_K = 200
_IOU_THR = 0.45
_SCORE_THR = 0.01

_B = 16
_N = 20000
_NB = 1024
_NBLK = 20
_NPAD = _NB * _NBLK
_ROWS = 160
_LANES = 128
_KPAD = 256
_CBUF = 320
_HALF = _NPAD // 2
_BIG = 2 ** 30
_NEG = float("-inf")


def _decode_body(logits_ref, bbox_ref, priors_ref, packed_ref, best_ref):
    nb = pl.program_id(1)
    xt = logits_ref[0]
    m = jnp.max(xt, axis=0, keepdims=True)
    e = jnp.exp(xt - m)
    s = jnp.sum(e, axis=0, keepdims=True)
    efg = e[1:, :]
    eb = jnp.max(efg, axis=0, keepdims=True)
    best = eb / s
    cls_iota = lax.broadcasted_iota(jnp.int32, efg.shape, 0)
    lab = jnp.min(jnp.where(efg >= eb, cls_iota, _BIG), axis=0, keepdims=True) + 1

    lane_iota = lax.broadcasted_iota(jnp.int32, (1, _NB), 1)
    valid = (nb * _NB + lane_iota) < _N
    best = jnp.where(valid, best, _NEG)
    labf = jnp.where(valid, lab, 0).astype(jnp.float32)

    bt = bbox_ref[0]
    pt = priors_ref[...]
    cx = bt[0:1] * _CENTER_VAR * pt[2:3] + pt[0:1]
    cy = bt[1:2] * _CENTER_VAR * pt[3:4] + pt[1:2]
    w = jnp.exp(bt[2:3] * _SIZE_VAR) * pt[2:3]
    h = jnp.exp(bt[3:4] * _SIZE_VAR) * pt[3:4]
    x1 = cx - w * 0.5
    y1 = cy - h * 0.5
    x2 = cx + w * 0.5
    y2 = cy + h * 0.5
    z = jnp.zeros((1, _NB), jnp.float32)
    stack = jnp.concatenate([best, labf, x1, y1, x2, y2, z, z], axis=0)
    packed_ref[0] = jnp.transpose(stack, (1, 0))
    best_ref[0, 0] = best


def _bisect_body(best_ref, thr_ref):
    view = lax.bitcast_convert_type(best_ref[...], jnp.int32)

    def body(_, carry):
        lo, hi = carry
        mid = lo + (hi - lo) // 2
        ge = (view >= mid).astype(jnp.int32)
        cnt = jnp.sum(jnp.sum(ge, axis=1, keepdims=True), axis=2, keepdims=True)
        take = cnt >= _TOP_K
        return jnp.where(take, mid, lo), jnp.where(take, hi, mid)

    lo0 = jnp.zeros((_B, 1, 1), jnp.int32)
    hi0 = jnp.full((_B, 1, 1), 2 ** 31 - 1, jnp.int32)
    lo, _ = lax.fori_loop(0, 31, body, (lo0, hi0))
    thr = lax.bitcast_convert_type(lo, jnp.float32)
    thr_ref[...] = jnp.broadcast_to(thr, (_B, 1, 16))


def _sc_compact_body(best_hbm, thr_hbm, vals_hbm, idx_hbm,
                     chunk_v, sv_v, si_v, thr_v):
    cid = lax.axis_index("c")
    sid = lax.axis_index("s")
    wid = sid * 2 + cid
    b = wid // 2
    h = wid - b * 2

    pltpu.sync_copy(best_hbm.at[b, pl.ds(h * _HALF, _HALF)], chunk_v)
    pltpu.sync_copy(thr_hbm.at[b], thr_v)
    t16 = thr_v[...]

    neg = jnp.full((16,), _NEG, jnp.float32)
    zero = jnp.zeros((16,), jnp.int32)

    def init(j, _):
        sv_v[pl.ds(j * 16, 16)] = neg
        si_v[pl.ds(j * 16, 16)] = zero
        return 0

    lax.fori_loop(0, _CBUF // 16, init, 0)

    lane = lax.iota(jnp.int32, 16)
    base0 = h * _HALF

    one16 = jnp.ones((16,), jnp.int32)
    zero16 = jnp.zeros((16,), jnp.int32)

    def body(i, off):
        v = chunk_v[pl.ds(i * 16, 16)]
        mask = v >= t16
        cnt = jnp.sum(jnp.where(mask, one16, zero16))
        off_c = jnp.minimum(off, _CBUF - 16)
        idxv = base0 + i * 16 + lane
        plsc.store_compressed(sv_v.at[pl.ds(off_c, 16)], v, mask=mask)
        plsc.store_compressed(si_v.at[pl.ds(off_c, 16)], idxv, mask=mask)
        return jnp.minimum(off + cnt, _CBUF - 16)

    lax.fori_loop(0, _HALF // 16, body, jnp.int32(0))

    pltpu.sync_copy(sv_v, vals_hbm.at[b, h])
    pltpu.sync_copy(si_v, idx_hbm.at[b, h])


def _sort_body(sv_ref, si_ref, gv_ref, gi_ref):
    sv = sv_ref[...]
    si = si_ref[...]
    kiota = lax.broadcasted_iota(jnp.int32, (_B, 1, _KPAD), 2)
    biota = lax.broadcasted_iota(jnp.int32, (_B, 1, _KPAD), 0)

    def body(k, carry):
        sv, va, ia = carry
        m = jnp.max(jnp.max(sv, axis=1, keepdims=True), axis=2, keepdims=True)
        sel = jnp.where(sv == m, si, _BIG)
        idx = jnp.min(jnp.min(sel, axis=1, keepdims=True), axis=2, keepdims=True)
        va = jnp.where(kiota == k, jnp.broadcast_to(m, va.shape), va)
        ia = jnp.where(kiota == k, jnp.broadcast_to(idx, ia.shape), ia)
        sv = jnp.where(si == idx, _NEG, sv)
        return sv, va, ia

    va0 = jnp.full((_B, 1, _KPAD), _NEG, jnp.float32)
    ia0 = jnp.zeros((_B, 1, _KPAD), jnp.int32)
    _, va, ia = lax.fori_loop(0, _TOP_K, body, (sv, va0, ia0))
    gv_ref[...] = va
    gi_ref[...] = ia + biota * _NPAD


def _sc_gather_body(packed_hbm, gidx_hbm, cand_hbm, idx_v, rows_v, sem):
    cid = lax.axis_index("c")
    sid = lax.axis_index("s")
    wid = sid * 2 + cid
    b = wid // 2
    h = wid - b * 2

    pltpu.sync_copy(gidx_hbm.at[b, pl.ds(h * 128, 128)], idx_v)
    pltpu.async_copy(packed_hbm.at[idx_v], rows_v, sem).wait()
    pltpu.sync_copy(rows_v, cand_hbm.at[b, pl.ds(h * 128, 128)])


def _nms_body(cand_ref, gv_ref, boxes_ref, scores_ref, labels_ref, keep_ref,
              supmat):
    lane256 = lax.broadcasted_iota(jnp.int32, (_B, 1, _KPAD), 2)
    cand = cand_ref[...]
    labcol = cand[:, :, 1:2]
    x1col = cand[:, :, 2:3]
    y1col = cand[:, :, 3:4]
    x2col = cand[:, :, 4:5]
    y2col = cand[:, :, 5:6]

    def gather_rows(k, carry):
        x1r, y1r, x2r, y2r, labr = carry
        row = cand_ref[:, pl.ds(k, 1), :]
        sel = lane256 == k

        def put(acc, f):
            v = row[:, :, f:f + 1]
            return jnp.where(sel, jnp.broadcast_to(v, acc.shape), acc)

        return (put(x1r, 2), put(y1r, 3), put(x2r, 4), put(y2r, 5),
                put(labr, 1))

    z = jnp.zeros((_B, 1, _KPAD), jnp.float32)
    x1r, y1r, x2r, y2r, labr = lax.fori_loop(
        0, _TOP_K, gather_rows, (z, z, z, z, z))

    ix1 = jnp.maximum(x1col, x1r)
    iy1 = jnp.maximum(y1col, y1r)
    ix2 = jnp.minimum(x2col, x2r)
    iy2 = jnp.minimum(y2col, y2r)
    inter = jnp.clip(ix2 - ix1, 0.0) * jnp.clip(iy2 - iy1, 0.0)
    area_col = jnp.clip(x2col - x1col, 0.0) * jnp.clip(y2col - y1col, 0.0)
    area_row = jnp.clip(x2r - x1r, 0.0) * jnp.clip(y2r - y1r, 0.0)
    union = area_col + area_row - inter
    iou = inter / jnp.maximum(union, 1e-9)
    same = labcol == labr
    supmat[...] = jnp.where((iou > _IOU_THR) & same, 1.0, 0.0)

    gv = gv_ref[...]
    keep0 = jnp.where(gv > _SCORE_THR, 1.0, 0.0)

    def nms_step(i, keepf):
        rowi = supmat[:, pl.ds(i, 1), :]
        cansup = rowi * keepf * jnp.where(lane256 < i, 1.0, 0.0)
        supp = jnp.max(cansup, axis=2, keepdims=True)
        return jnp.where(lane256 == i,
                         keepf * (1.0 - jnp.broadcast_to(supp, keepf.shape)),
                         keepf)

    keepf = lax.fori_loop(0, _TOP_K, nms_step, keep0)

    scores_ref[...] = (gv * keepf)[:, :, :_TOP_K]
    labels_ref[...] = (labr * keepf)[:, :, :_TOP_K].astype(jnp.int32)
    keep_ref[...] = keepf[:, :, :_TOP_K].astype(jnp.int32)

    def out_body(k, _):
        kv = jnp.max(jnp.where(lane256 == k, keepf, 0.0), axis=2, keepdims=True)
        row = cand_ref[:, pl.ds(k, 1), 2:6] * jnp.broadcast_to(kv, (_B, 1, 4))
        boxes_ref[:, pl.ds(k, 1), :] = row
        return 0

    lax.fori_loop(0, _TOP_K, out_body, 0)


def _sc_compact():
    mesh = plsc.VectorSubcoreMesh(core_axis_name="c", subcore_axis_name="s")
    return pl.kernel(
        _sc_compact_body, mesh=mesh,
        compiler_params=pltpu.CompilerParams(needs_layout_passes=False),
        out_type=[jax.ShapeDtypeStruct((_B, 2, _CBUF), jnp.float32),
                  jax.ShapeDtypeStruct((_B, 2, _CBUF), jnp.int32)],
        scratch_types=[pltpu.VMEM((_HALF,), jnp.float32),
                       pltpu.VMEM((_CBUF,), jnp.float32),
                       pltpu.VMEM((_CBUF,), jnp.int32),
                       pltpu.VMEM((16,), jnp.float32)],
    )


def _sc_gather():
    mesh = plsc.VectorSubcoreMesh(core_axis_name="c", subcore_axis_name="s")
    return pl.kernel(
        _sc_gather_body, mesh=mesh,
        compiler_params=pltpu.CompilerParams(needs_layout_passes=False,
                                             use_tc_tiling_on_sc=False),
        out_type=jax.ShapeDtypeStruct((_B, _KPAD, 8), jnp.float32),
        scratch_types=[pltpu.VMEM((128,), jnp.int32),
                       pltpu.VMEM((128, 8), jnp.float32),
                       pltpu.SemaphoreType.DMA],
    )


def kernel(cls_logits, bbox_pred, priors):
    B, N, C = cls_logits.shape

    logits_t = jnp.swapaxes(cls_logits, 1, 2)
    bbox_t = jnp.swapaxes(bbox_pred, 1, 2)
    priors_t = jnp.transpose(priors, (1, 0))

    packed, bestp = pl.pallas_call(
        _decode_body,
        grid=(B, _NBLK),
        in_specs=[
            pl.BlockSpec((1, _NUM_CLASSES, _NB), lambda b, nb: (b, 0, nb)),
            pl.BlockSpec((1, 4, _NB), lambda b, nb: (b, 0, nb)),
            pl.BlockSpec((4, _NB), lambda b, nb: (0, nb)),
        ],
        out_specs=[
            pl.BlockSpec((1, _NB, 8), lambda b, nb: (b, nb, 0)),
            pl.BlockSpec((1, 1, 1, _NB), lambda b, nb: (b, nb, 0, 0)),
        ],
        out_shape=[
            jax.ShapeDtypeStruct((B, _NPAD, 8), jnp.float32),
            jax.ShapeDtypeStruct((B, _NBLK, 1, _NB), jnp.float32),
        ],
    )(logits_t, bbox_t, priors_t)

    best2d = bestp.reshape(B, _ROWS, _LANES)

    thr = pl.pallas_call(
        _bisect_body,
        in_specs=[pl.BlockSpec((B, _ROWS, _LANES), lambda: (0, 0, 0))],
        out_specs=pl.BlockSpec((B, 1, 16), lambda: (0, 0, 0)),
        out_shape=jax.ShapeDtypeStruct((B, 1, 16), jnp.float32),
    )(best2d)

    sv, si = _sc_compact()(best2d.reshape(B, _NPAD), thr.reshape(B, 16))

    gv, gi = pl.pallas_call(
        _sort_body,
        in_specs=[
            pl.BlockSpec((B, 1, 2 * _CBUF), lambda: (0, 0, 0)),
            pl.BlockSpec((B, 1, 2 * _CBUF), lambda: (0, 0, 0)),
        ],
        out_specs=[
            pl.BlockSpec((B, 1, _KPAD), lambda: (0, 0, 0)),
            pl.BlockSpec((B, 1, _KPAD), lambda: (0, 0, 0)),
        ],
        out_shape=[
            jax.ShapeDtypeStruct((B, 1, _KPAD), jnp.float32),
            jax.ShapeDtypeStruct((B, 1, _KPAD), jnp.int32),
        ],
    )(sv.reshape(B, 1, 2 * _CBUF), si.reshape(B, 1, 2 * _CBUF))

    cand = _sc_gather()(packed.reshape(B * _NPAD, 8), gi.reshape(B, _KPAD))

    boxes, scores, labels, keep = pl.pallas_call(
        _nms_body,
        in_specs=[
            pl.BlockSpec((B, _KPAD, 8), lambda: (0, 0, 0)),
            pl.BlockSpec((B, 1, _KPAD), lambda: (0, 0, 0)),
        ],
        out_specs=[
            pl.BlockSpec((B, _TOP_K, 4), lambda: (0, 0, 0)),
            pl.BlockSpec((B, 1, _TOP_K), lambda: (0, 0, 0)),
            pl.BlockSpec((B, 1, _TOP_K), lambda: (0, 0, 0)),
            pl.BlockSpec((B, 1, _TOP_K), lambda: (0, 0, 0)),
        ],
        out_shape=[
            jax.ShapeDtypeStruct((B, _TOP_K, 4), jnp.float32),
            jax.ShapeDtypeStruct((B, 1, _TOP_K), jnp.float32),
            jax.ShapeDtypeStruct((B, 1, _TOP_K), jnp.int32),
            jax.ShapeDtypeStruct((B, 1, _TOP_K), jnp.int32),
        ],
        scratch_shapes=[pltpu.VMEM((_B, _KPAD, _KPAD), jnp.float32)],
    )(cand, gv)

    return (boxes,
            scores.reshape(B, _TOP_K),
            labels.reshape(B, _TOP_K),
            keep.reshape(B, _TOP_K).astype(bool))

# --- scband reference (transcript-rebuilt; emitter-appended) ---
"""Pipeline reference for scband-ssdbox-head-51161650430689 (READ-ONLY COPY).

The authoritative reference and input builder live on the scoring server;
editing this copy changes nothing except your own understanding.
"""

import jax, jax.numpy as jnp
import numpy as np

CENTER_VARIANCE = 0.1
SIZE_VARIANCE = 0.2
NUM_CLASSES = 21
TOP_K = 200
IOU_THR = 0.45
SCORE_THR = 0.01


def setup_inputs(seed: int = 0) -> dict:
    key = jax.random.key(seed)
    k1, k2, k3, k4 = jax.random.split(key, 4)
    B, N, C = 16, 20000, NUM_CLASSES
    cls_logits = jax.random.normal(k1, (B, N, C), dtype=jnp.float32)
    bbox_pred = jax.random.normal(k2, (B, N, 4), dtype=jnp.float32) * 0.5
    # priors in center form (cx, cy, w, h), normalized coords
    centers = jax.random.uniform(k3, (N, 2), dtype=jnp.float32)
    sizes = 0.02 + 0.48 * jax.random.uniform(k4, (N, 2), dtype=jnp.float32)
    priors = jnp.concatenate([centers, sizes], axis=-1)
    return {"cls_logits": cls_logits, "bbox_pred": bbox_pred, "priors": priors}


def _convert_locations_to_boxes(bbox_pred, priors):
    # locations -> center-form boxes (as in box_utils.convert_locations_to_boxes)
    centers = bbox_pred[..., :2] * CENTER_VARIANCE * priors[..., 2:] + priors[..., :2]
    sizes = jnp.exp(bbox_pred[..., 2:] * SIZE_VARIANCE) * priors[..., 2:]
    return jnp.concatenate([centers, sizes], axis=-1)


def _center_form_to_corner_form(boxes):
    return jnp.concatenate([boxes[..., :2] - boxes[..., 2:] / 2.0,
                            boxes[..., :2] + boxes[..., 2:] / 2.0], axis=-1)


def _iou_matrix(a, b):
    # a: [K,4], b: [K,4] corner form
    lt = jnp.maximum(a[:, None, :2], b[None, :, :2])
    rb = jnp.minimum(a[:, None, 2:], b[None, :, 2:])
    wh = jnp.clip(rb - lt, 0.0)
    inter = wh[..., 0] * wh[..., 1]
    area_a = jnp.clip(a[:, 2] - a[:, 0], 0.0) * jnp.clip(a[:, 3] - a[:, 1], 0.0)
    area_b = jnp.clip(b[:, 2] - b[:, 0], 0.0) * jnp.clip(b[:, 3] - b[:, 1], 0.0)
    union = area_a[:, None] + area_b[None, :] - inter
    return inter / jnp.maximum(union, 1e-9)


def _nms_single(boxes, best_scores, labels):
    # boxes: [N,4] corner, best_scores: [N], labels: [N] int32
    top_scores, idx = jax.lax.top_k(best_scores, TOP_K)
    cand = jnp.take(boxes, idx, axis=0)
    cand_labels = jnp.take(labels, idx, axis=0)
    iou = _iou_matrix(cand, cand)
    same_cls = cand_labels[:, None] == cand_labels[None, :]
    sup_mat = (iou > IOU_THR) & same_cls
    valid = top_scores > SCORE_THR
    rng = jnp.arange(TOP_K)

    def body(i, keep):
        suppressed = jnp.any(sup_mat[i] & keep & (rng < i))
        return keep.at[i].set(keep[i] & jnp.logical_not(suppressed))

    keep = jax.lax.fori_loop(0, TOP_K, body, valid)
    return cand, top_scores, cand_labels, keep


def reference(cls_logits, bbox_pred, priors):
    # _forward_test path of SSDBoxHead
    scores = jax.nn.softmax(cls_logits, axis=2)              # [B,N,C]
    boxes_cf = _convert_locations_to_boxes(bbox_pred, priors)
    boxes = _center_form_to_corner_form(boxes_cf)            # [B,N,4]
    fg = scores[..., 1:]                                     # drop background
    best = jnp.max(fg, axis=-1)                              # [B,N]
    labels = (jnp.argmax(fg, axis=-1) + 1).astype(jnp.int32) # [B,N]
    cand, s, l, keep = jax.vmap(_nms_single)(boxes, best, labels)
    keepf = keep.astype(jnp.float32)
    out_boxes = cand * keepf[..., None]   # [B,TOP_K,4]
    out_scores = s * keepf                # [B,TOP_K]
    out_labels = l * keep.astype(jnp.int32)
    return out_boxes, out_scores, out_labels, keep

if __name__ == "__main__":
    import jax
    _d = setup_inputs()
    print(jax.jit(kernel)(*tuple(_d.values())))

</pallas_src>

<mosaic_0001>
#map = affine_map<(d0, d1) -> (0, 0)>
#map1 = affine_map<(d0, d1) -> (0, 0, 0)>
module attributes {stable_mosaic.version = 14 : i64} {
  func.func @_sc_gather_body(%arg0: i32, %arg1: i32, %arg2: memref<327680x8xf32, #tpu.memory_space<hbm>>, %arg3: memref<16x256xi32, #tpu.memory_space<hbm>>, %arg4: memref<16x256x8xf32, #tpu.memory_space<hbm>>, %arg5: memref<128xi32, #tpu.memory_space<vmem>>, %arg6: memref<128x8xf32, #tpu.memory_space<vmem>>, %arg7: memref<!tpu.dma_semaphore, #tpu.memory_space<semaphore_mem>>) attributes {dimension_semantics = [#tpu.dimension_semantics<core_parallel>, #tpu.dimension_semantics<subcore_parallel>], iteration_bounds = array<i64: 2, 16>, scalar_prefetch = 0 : i64, scratch_operands = 3 : i64, tpu.core_type = #tpu.core_type<sc_vector_subcore>, window_params = [{transform_indices = #map}, {transform_indices = #map}, {transform_indices = #map1}]} {
    %mul3A = arith.constant 2 : i32
    %mul3A_0 = arith.muli %arg1, %mul3A : i32
    %add3A = arith.addi %mul3A_0, %arg0 : i32
    %jit3A = arith.constant 2 : i32
    %div3A = arith.divsi %add3A, %jit3A : i32
    %sign3A = arith.constant 0 : i32
    %sign3A_1 = arith.cmpi sgt, %add3A, %sign3A : i32
    %sign3A_2 = arith.extui %sign3A_1 : i1 to i32
    %sign3A_3 = arith.constant 0 : i32
    %sign3A_4 = arith.cmpi slt, %add3A, %sign3A_3 : i32
    %sign3A_5 = arith.extui %sign3A_4 : i1 to i32
    %sign3A_6 = arith.subi %sign3A_2, %sign3A_5 : i32
    %sign3A_7 = arith.constant 0 : i32
    %sign3A_8 = arith.cmpi sgt, %jit3A, %sign3A_7 : i32
    %sign3A_9 = arith.extui %sign3A_8 : i1 to i32
    %sign3A_10 = arith.constant 0 : i32
    %sign3A_11 = arith.cmpi slt, %jit3A, %sign3A_10 : i32
    %sign3A_12 = arith.extui %sign3A_11 : i1 to i32
    %sign3A_13 = arith.subi %sign3A_9, %sign3A_12 : i32
    %ne3A = arith.cmpi ne, %sign3A_6, %sign3A_13 : i32
    %rem3A = arith.remsi %add3A, %jit3A : i32
    %ne3A_14 = arith.constant 0 : i32
    %ne3A_15 = arith.cmpi ne, %rem3A, %ne3A_14 : i32
    %and3A = arith.andi %ne3A, %ne3A_15 : i1
    %sub3A = arith.constant 1 : i32
    %sub3A_16 = arith.subi %div3A, %sub3A : i32
    %select_n3A = arith.select %and3A, %sub3A_16, %div3A : i32
    %mul3A_17 = arith.constant 2 : i32
    %mul3A_18 = arith.muli %select_n3A, %mul3A_17 : i32
    %sub3A_19 = arith.subi %add3A, %mul3A_18 : i32
    %mul3A_20 = arith.constant 128 : i32
    %mul3A_21 = arith.muli %sub3A_19, %mul3A_20 : i32
    "tpu.region"() ({
      %run_scoped3A = tpu.sem_alloc : memref<!tpu.dma_semaphore, #tpu.memory_space<semaphore_mem>>
      %dma_start3A_28 = tpu.memref_slice %arg3[%select_n3A, %mul3A_21] : memref<16x256xi32, #tpu.memory_space<hbm>> -> memref<1x128xi32, #tpu.memory_space<hbm>>
      %dma_start3A_29 = tpu.memref_squeeze %dma_start3A_28 : memref<1x128xi32, #tpu.memory_space<hbm>> -> memref<128xi32, #tpu.memory_space<hbm>>
      %dma_start3A_30 = tpu.memref_slice %arg3[%select_n3A, %mul3A_21] : memref<16x256xi32, #tpu.memory_space<hbm>> -> memref<1x128xi32, #tpu.memory_space<hbm>>
      %dma_start3A_31 = tpu.memref_squeeze %dma_start3A_30 : memref<1x128xi32, #tpu.memory_space<hbm>> -> memref<128xi32, #tpu.memory_space<hbm>>
      tpu.enqueue_dma source(%dma_start3A_31 : memref<128xi32, #tpu.memory_space<hbm>>) target(%arg5 : memref<128xi32, #tpu.memory_space<vmem>>) target_semaphore(%run_scoped3A : memref<!tpu.dma_semaphore, #tpu.memory_space<semaphore_mem>>)
      %dma_wait3A_32 = tpu.memref_slice %arg3[%select_n3A, %mul3A_21] : memref<16x256xi32, #tpu.memory_space<hbm>> -> memref<1x128xi32, #tpu.memory_space<hbm>>
      %dma_wait3A_33 = tpu.memref_squeeze %dma_wait3A_32 : memref<1x128xi32, #tpu.memory_space<hbm>> -> memref<128xi32, #tpu.memory_space<hbm>>
      %dma_wait3A_34 = tpu.memref_slice %arg3[%select_n3A, %mul3A_21] : memref<16x256xi32, #tpu.memory_space<hbm>> -> memref<1x128xi32, #tpu.memory_space<hbm>>
      %dma_wait3A_35 = tpu.memref_squeeze %dma_wait3A_34 : memref<1x128xi32, #tpu.memory_space<hbm>> -> memref<128xi32, #tpu.memory_space<hbm>>
      tpu.wait_dma2 semaphore(%run_scoped3A : memref<!tpu.dma_semaphore, #tpu.memory_space<semaphore_mem>>) src(%dma_wait3A_35 : memref<128xi32, #tpu.memory_space<hbm>>) dst(%arg5 : memref<128xi32, #tpu.memory_space<vmem>>)
      tpu.yield
    }) : () -> ()
    %dma_start3A = arith.constant 0 : i32
    %dma_start3A_22 = arith.constant 0 : i32
    %dma_start3A_23 = tpu.memref_slice %arg2[%dma_start3A, %dma_start3A_22] : memref<327680x8xf32, #tpu.memory_space<hbm>> -> memref<327680x8xf32, #tpu.memory_space<hbm>>
    tpu.enqueue_indirect_dma source(%dma_start3A_23 : memref<327680x8xf32, #tpu.memory_space<hbm>>) target(%arg6 : memref<128x8xf32, #tpu.memory_space<vmem>>) offsets(%arg5 : memref<128xi32, #tpu.memory_space<vmem>>) semaphore(%arg7 : memref<!tpu.dma_semaphore, #tpu.memory_space<semaphore_mem>>)
    %dma_wait3A = arith.constant 0 : i32
    %dma_wait3A_24 = arith.constant 0 : i32
    %dma_wait3A_25 = tpu.memref_slice %arg2[%dma_wait3A, %dma_wait3A_24] : memref<327680x8xf32, #tpu.memory_space<hbm>> -> memref<327680x8xf32, #tpu.memory_space<hbm>>
    tpu.wait_indirect_dma semaphore(%arg7 : memref<!tpu.dma_semaphore, #tpu.memory_space<semaphore_mem>>) src(%dma_wait3A_25 : memref<327680x8xf32, #tpu.memory_space<hbm>>) dst(%arg6 : memref<128x8xf32, #tpu.memory_space<vmem>>)
    %mul3A_26 = arith.constant 128 : i32
    %mul3A_27 = arith.muli %sub3A_19, %mul3A_26 : i32
    "tpu.region"() ({
      %run_scoped3A = tpu.sem_alloc : memref<!tpu.dma_semaphore, #tpu.memory_space<semaphore_mem>>
      %dma_start3A_28 = arith.constant 0 : i32
      %dma_start3A_29 = tpu.memref_slice %arg4[%select_n3A, %mul3A_27, %dma_start3A_28] : memref<16x256x8xf32, #tpu.memory_space<hbm>> -> memref<1x128x8xf32, #tpu.memory_space<hbm>>
      %dma_start3A_30 = tpu.memref_squeeze %dma_start3A_29 : memref<1x128x8xf32, #tpu.memory_space<hbm>> -> memref<128x8xf32, #tpu.memory_space<hbm>>
      %dma_start3A_31 = arith.constant 0 : i32
      %dma_start3A_32 = tpu.memref_slice %arg4[%select_n3A, %mul3A_27, %dma_start3A_31] : memref<16x256x8xf32, #tpu.memory_space<hbm>> -> memref<1x128x8xf32, #tpu.memory_space<hbm>>
      %dma_start3A_33 = tpu.memref_squeeze %dma_start3A_32 : memref<1x128x8xf32, #tpu.memory_space<hbm>> -> memref<128x8xf32, #tpu.memory_space<hbm>>
      tpu.enqueue_dma source(%arg6 : memref<128x8xf32, #tpu.memory_space<vmem>>) target(%dma_start3A_33 : memref<128x8xf32, #tpu.memory_space<hbm>>) target_semaphore(%run_scoped3A : memref<!tpu.dma_semaphore, #tpu.memory_space<semaphore_mem>>)
      %dma_wait3A_34 = arith.constant 0 : i32
      %dma_wait3A_35 = tpu.memref_slice %arg4[%select_n3A, %mul3A_27, %dma_wait3A_34] : memref<16x256x8xf32, #tpu.memory_space<hbm>> -> memref<1x128x8xf32, #tpu.memory_space<hbm>>
      %dma_wait3A_36 = tpu.memref_squeeze %dma_wait3A_35 : memref<1x128x8xf32, #tpu.memory_space<hbm>> -> memref<128x8xf32, #tpu.memory_space<hbm>>
      %dma_wait3A_37 = arith.constant 0 : i32
      %dma_wait3A_38 = tpu.memref_slice %arg4[%select_n3A, %mul3A_27, %dma_wait3A_37] : memref<16x256x8xf32, #tpu.memory_space<hbm>> -> memref<1x128x8xf32, #tpu.memory_space<hbm>>
      %dma_wait3A_39 = tpu.memref_squeeze %dma_wait3A_38 : memref<1x128x8xf32, #tpu.memory_space<hbm>> -> memref<128x8xf32, #tpu.memory_space<hbm>>
      tpu.wait_dma2 semaphore(%run_scoped3A : memref<!tpu.dma_semaphore, #tpu.memory_space<semaphore_mem>>) src(%arg6 : memref<128x8xf32, #tpu.memory_space<vmem>>) dst(%dma_wait3A_39 : memref<128x8xf32, #tpu.memory_space<hbm>>)
      tpu.yield
    }) : () -> ()
    return
  }
}

#map = affine_map<(d0, d1) -> (0, 0)>
#map1 = affine_map<(d0, d1) -> (0, 0, 0)>
module attributes {stable_mosaic.version = 14 : i64} {
  func.func @_sc_compact_body(%arg0: i32, %arg1: i32, %arg2: memref<16x20480xf32, #tpu.memory_space<hbm>>, %arg3: memref<16x16xf32, #tpu.memory_space<hbm>>, %arg4: memref<16x2x320xf32, #tpu.memory_space<hbm>>, %arg5: memref<16x2x320xi32, #tpu.memory_space<hbm>>, %arg6: memref<10240xf32, #tpu.memory_space<vmem>>, %arg7: memref<320xf32, #tpu.memory_space<vmem>>, %arg8: memref<320xi32, #tpu.memory_space<vmem>>, %arg9: memref<16xf32, #tpu.memory_space<vmem>>) attributes {dimension_semantics = [#tpu.dimension_semantics<core_parallel>, #tpu.dimension_semantics<subcore_parallel>], iteration_bounds = array<i64: 2, 16>, scalar_prefetch = 0 : i64, scratch_operands = 4 : i64, tpu.core_type = #tpu.core_type<sc_vector_subcore>, window_params = [{transform_indices = #map}, {transform_indices = #map}, {transform_indices = #map1}, {transform_indices = #map1}]} {
    %mul3A = arith.constant 2 : i32
    %mul3A_0 = arith.muli %arg1, %mul3A : i32
    %add3A = arith.addi %mul3A_0, %arg0 : i32
    %jit3A = arith.constant 2 : i32
    %div3A = arith.divsi %add3A, %jit3A : i32
    %sign3A = arith.constant 0 : i32
    %sign3A_1 = arith.cmpi sgt, %add3A, %sign3A : i32
    %sign3A_2 = arith.extui %sign3A_1 : i1 to i32
    %sign3A_3 = arith.constant 0 : i32
    %sign3A_4 = arith.cmpi slt, %add3A, %sign3A_3 : i32
    %sign3A_5 = arith.extui %sign3A_4 : i1 to i32
    %sign3A_6 = arith.subi %sign3A_2, %sign3A_5 : i32
    %sign3A_7 = arith.constant 0 : i32
    %sign3A_8 = arith.cmpi sgt, %jit3A, %sign3A_7 : i32
    %sign3A_9 = arith.extui %sign3A_8 : i1 to i32
    %sign3A_10 = arith.constant 0 : i32
    %sign3A_11 = arith.cmpi slt, %jit3A, %sign3A_10 : i32
    %sign3A_12 = arith.extui %sign3A_11 : i1 to i32
    %sign3A_13 = arith.subi %sign3A_9, %sign3A_12 : i32
    %ne3A = arith.cmpi ne, %sign3A_6, %sign3A_13 : i32
    %rem3A = arith.remsi %add3A, %jit3A : i32
    %ne3A_14 = arith.constant 0 : i32
    %ne3A_15 = arith.cmpi ne, %rem3A, %ne3A_14 : i32
    %and3A = arith.andi %ne3A, %ne3A_15 : i1
    %sub3A = arith.constant 1 : i32
    %sub3A_16 = arith.subi %div3A, %sub3A : i32
    %select_n3A = arith.select %and3A, %sub3A_16, %div3A : i32
    %mul3A_17 = arith.constant 2 : i32
    %mul3A_18 = arith.muli %select_n3A, %mul3A_17 : i32
    %sub3A_19 = arith.subi %add3A, %mul3A_18 : i32
    %mul3A_20 = arith.constant 10240 : i32
    %mul3A_21 = arith.muli %sub3A_19, %mul3A_20 : i32
    "tpu.region"() ({
      %run_scoped3A = tpu.sem_alloc : memref<!tpu.dma_semaphore, #tpu.memory_space<semaphore_mem>>
      %dma_start3A = tpu.memref_slice %arg2[%select_n3A, %mul3A_21] : memref<16x20480xf32, #tpu.memory_space<hbm>> -> memref<1x10240xf32, #tpu.memory_space<hbm>>
      %dma_start3A_45 = tpu.memref_squeeze %dma_start3A : memref<1x10240xf32, #tpu.memory_space<hbm>> -> memref<10240xf32, #tpu.memory_space<hbm>>
      %dma_start3A_46 = tpu.memref_slice %arg2[%select_n3A, %mul3A_21] : memref<16x20480xf32, #tpu.memory_space<hbm>> -> memref<1x10240xf32, #tpu.memory_space<hbm>>
      %dma_start3A_47 = tpu.memref_squeeze %dma_start3A_46 : memref<1x10240xf32, #tpu.memory_space<hbm>> -> memref<10240xf32, #tpu.memory_space<hbm>>
      tpu.enqueue_dma source(%dma_start3A_47 : memref<10240xf32, #tpu.memory_space<hbm>>) target(%arg6 : memref<10240xf32, #tpu.memory_space<vmem>>) target_semaphore(%run_scoped3A : memref<!tpu.dma_semaphore, #tpu.memory_space<semaphore_mem>>)
      %dma_wait3A = tpu.memref_slice %arg2[%select_n3A, %mul3A_21] : memref<16x20480xf32, #tpu.memory_space<hbm>> -> memref<1x10240xf32, #tpu.memory_space<hbm>>
      %dma_wait3A_48 = tpu.memref_squeeze %dma_wait3A : memref<1x10240xf32, #tpu.memory_space<hbm>> -> memref<10240xf32, #tpu.memory_space<hbm>>
      %dma_wait3A_49 = tpu.memref_slice %arg2[%select_n3A, %mul3A_21] : memref<16x20480xf32, #tpu.memory_space<hbm>> -> memref<1x10240xf32, #tpu.memory_space<hbm>>
      %dma_wait3A_50 = tpu.memref_squeeze %dma_wait3A_49 : memref<1x10240xf32, #tpu.memory_space<hbm>> -> memref<10240xf32, #tpu.memory_space<hbm>>
      tpu.wait_dma2 semaphore(%run_scoped3A : memref<!tpu.dma_semaphore, #tpu.memory_space<semaphore_mem>>) src(%dma_wait3A_50 : memref<10240xf32, #tpu.memory_space<hbm>>) dst(%arg6 : memref<10240xf32, #tpu.memory_space<vmem>>)
      tpu.yield
    }) : () -> ()
    "tpu.region"() ({
      %run_scoped3A = tpu.sem_alloc : memref<!tpu.dma_semaphore, #tpu.memory_space<semaphore_mem>>
      %dma_start3A = arith.constant 0 : i32
      %dma_start3A_45 = tpu.memref_slice %arg3[%select_n3A, %dma_start3A] : memref<16x16xf32, #tpu.memory_space<hbm>> -> memref<1x16xf32, #tpu.memory_space<hbm>>
      %dma_start3A_46 = tpu.memref_squeeze %dma_start3A_45 : memref<1x16xf32, #tpu.memory_space<hbm>> -> memref<16xf32, #tpu.memory_space<hbm>>
      %dma_start3A_47 = arith.constant 0 : i32
      %dma_start3A_48 = tpu.memref_slice %arg3[%select_n3A, %dma_start3A_47] : memref<16x16xf32, #tpu.memory_space<hbm>> -> memref<1x16xf32, #tpu.memory_space<hbm>>
      %dma_start3A_49 = tpu.memref_squeeze %dma_start3A_48 : memref<1x16xf32, #tpu.memory_space<hbm>> -> memref<16xf32, #tpu.memory_space<hbm>>
      tpu.enqueue_dma source(%dma_start3A_49 : memref<16xf32, #tpu.memory_space<hbm>>) target(%arg9 : memref<16xf32, #tpu.memory_space<vmem>>) target_semaphore(%run_scoped3A : memref<!tpu.dma_semaphore, #tpu.memory_space<semaphore_mem>>)
      %dma_wait3A = arith.constant 0 : i32
      %dma_wait3A_50 = tpu.memref_slice %arg3[%select_n3A, %dma_wait3A] : memref<16x16xf32, #tpu.memory_space<hbm>> -> memref<1x16xf32, #tpu.memory_space<hbm>>
      %dma_wait3A_51 = tpu.memref_squeeze %dma_wait3A_50 : memref<1x16xf32, #tpu.memory_space<hbm>> -> memref<16xf32, #tpu.memory_space<hbm>>
      %dma_wait3A_52 = arith.constant 0 : i32
      %dma_wait3A_53 = tpu.memref_slice %arg3[%select_n3A, %dma_wait3A_52] : memref<16x16xf32, #tpu.memory_space<hbm>> -> memref<1x16xf32, #tpu.memory_space<hbm>>
      %dma_wait3A_54 = tpu.memref_squeeze %dma_wait3A_53 : memref<1x16xf32, #tpu.memory_space<hbm>> -> memref<16xf32, #tpu.memory_space<hbm>>
      tpu.wait_dma2 semaphore(%run_scoped3A : memref<!tpu.dma_semaphore, #tpu.memory_space<semaphore_mem>>) src(%dma_wait3A_54 : memref<16xf32, #tpu.memory_space<hbm>>) dst(%arg9 : memref<16xf32, #tpu.memory_space<vmem>>)
      tpu.yield
    }) : () -> ()
    %get3A = arith.constant 0 : index
    %get3A_22 = tpu.vector_load %arg9[%get3A] {strides = array<i32>} : memref<16xf32, #tpu.memory_space<vmem>>, vector<16xf32>,
    %broadcast_in_dim3A = arith.constant 0xFF800000 : f32
    %broadcast_in_dim3A_23 = vector.broadcast %broadcast_in_dim3A : f32 to vector<16xf32>
    %broadcast_in_dim3A_24 = arith.constant 0 : i32
    %broadcast_in_dim3A_25 = vector.broadcast %broadcast_in_dim3A_24 : i32 to vector<16xi32>
    %scan3A = arith.constant 0 : i32
    %scan3A_26 = arith.constant 0 : i32
    %scan3A_27 = arith.constant 20 : i32
    %scan3A_28 = arith.addi %scan3A_26, %scan3A_27 : i32
    %scan3A_29 = arith.constant 1 : i32
    %scan3A_30 = scf.for %scan3A_45 = %scan3A_26 to %scan3A_28 step %scan3A_29 iter_args(%scan3A_46 = %scan3A) -> (i32)  : i32 {
      %mul3A_47 = arith.constant 16 : i32
      %mul3A_48 = arith.muli %scan3A_45, %mul3A_47 : i32
      %swap3A = arith.index_cast %mul3A_48 : i32 to index
      %swap3A_49 = tpu.vector_load %arg7[%swap3A] {strides = array<i32>} : memref<320xf32, #tpu.memory_space<vmem>>, vector<16xf32>,
      tpu.vector_store %arg7[%swap3A], %broadcast_in_dim3A_23 {strides = array<i32>} : memref<320xf32, #tpu.memory_space<vmem>>, vector<16xf32>,
      %mul3A_50 = arith.constant 16 : i32
      %mul3A_51 = arith.muli %scan3A_45, %mul3A_50 : i32
      %swap3A_52 = arith.index_cast %mul3A_51 : i32 to index
      %swap3A_53 = tpu.vector_load %arg8[%swap3A_52] {strides = array<i32>} : memref<320xi32, #tpu.memory_space<vmem>>, vector<16xi32>,
      tpu.vector_store %arg8[%swap3A_52], %broadcast_in_dim3A_25 {strides = array<i32>} : memref<320xi32, #tpu.memory_space<vmem>>, vector<16xi32>,
      %scan3A_54 = arith.constant 0 : i32
      scf.yield %scan3A_54 : i32
    }
    %scan3A_31 = arith.constant 20 : i32
    %iota3A = tpu.iota {dimensions = array<i32: 0>} : vector<16xi32>
    %mul3A_32 = arith.constant 10240 : i32
    %mul3A_33 = arith.muli %sub3A_19, %mul3A_32 : i32
    %broadcast_in_dim3A_34 = arith.constant 1 : i32
    %broadcast_in_dim3A_35 = vector.broadcast %broadcast_in_dim3A_34 : i32 to vector<16xi32>
    %broadcast_in_dim3A_36 = arith.constant 0 : i32
    %broadcast_in_dim3A_37 = vector.broadcast %broadcast_in_dim3A_36 : i32 to vector<16xi32>
    %scan3A_38 = arith.constant 0 : i32
    %scan3A_39 = arith.constant 0 : i32
    %scan3A_40 = arith.constant 640 : i32
    %scan3A_41 = arith.addi %scan3A_39, %scan3A_40 : i32
    %scan3A_42 = arith.constant 1 : i32
    %scan3A_43 = scf.for %scan3A_45 = %scan3A_39 to %scan3A_41 step %scan3A_42 iter_args(%scan3A_46 = %scan3A_38) -> (i32)  : i32 {
      %mul3A_47 = arith.constant 16 : i32
      %mul3A_48 = arith.muli %scan3A_45, %mul3A_47 : i32
      %get3A_49 = arith.index_cast %mul3A_48 : i32 to index
      %get3A_50 = tpu.vector_load %arg6[%get3A_49] {strides = array<i32>} : memref<10240xf32, #tpu.memory_space<vmem>>, vector<16xf32>,
      %ge3A = arith.cmpf oge, %get3A_50, %get3A_22 : vector<16xf32>
      %select_n3A_51 = arith.select %ge3A, %broadcast_in_dim3A_35, %broadcast_in_dim3A_37 : vector<16xi1>, vector<16xi32>
      %reduce_sum3A = arith.constant true
      %reduce_sum3A_52 = vector.broadcast %reduce_sum3A : i1 to vector<16xi1>
      %reduce_sum3A_53 = tpu.scan <sum>, %select_n3A_51 masked %reduce_sum3A_52 : vector<16xi32>, vector<16xi1> -> vector<16xi32>
      %reduce_sum3A_54 = vector.extract %reduce_sum3A_53[15] : i32 from vector<16xi32>
      %min3A = arith.constant 304 : i32
      %min3A_55 = arith.minsi %scan3A_46, %min3A : i32
      %mul3A_56 = arith.constant 16 : i32
      %mul3A_57 = arith.muli %scan3A_45, %mul3A_56 : i32
      %add3A_58 = arith.addi %mul3A_33, %mul3A_57 : i32
      %add3A_59 = vector.broadcast %add3A_58 : i32 to vector<16xi32>
      %add3A_60 = arith.addi %add3A_59, %iota3A : vector<16xi32>
      %swap3A = arith.index_cast %min3A_55 : i32 to index
      %swap3A_61 = tpu.vector_load %arg7[%swap3A] masked %ge3A {strides = array<i32>} : memref<320xf32, #tpu.memory_space<vmem>>, vector<16xf32>, vector<16xi1>
      tpu.vector_store %arg7[%swap3A], %get3A_50 masked %ge3A {strides = array<i32>} : memref<320xf32, #tpu.memory_space<vmem>>, vector<16xf32>, vector<16xi1>
      %swap3A_62 = arith.index_cast %min3A_55 : i32 to index
      %swap3A_63 = tpu.vector_load %arg8[%swap3A_62] masked %ge3A {strides = array<i32>} : memref<320xi32, #tpu.memory_space<vmem>>, vector<16xi32>, vector<16xi1>
      tpu.vector_store %arg8[%swap3A_62], %add3A_60 masked %ge3A {strides = array<i32>} : memref<320xi32, #tpu.memory_space<vmem>>, vector<16xi32>, vector<16xi1>
      %add3A_64 = arith.addi %scan3A_46, %reduce_sum3A_54 : i32
      %min3A_65 = arith.constant 304 : i32
      %min3A_66 = arith.minsi %add3A_64, %min3A_65 : i32
      scf.yield %min3A_66 : i32
    }
    %scan3A_44 = arith.constant 640 : i32
    "tpu.region"() ({
      %run_scoped3A = tpu.sem_alloc : memref<!tpu.dma_semaphore, #tpu.memory_space<semaphore_mem>>
      %dma_start3A = arith.constant 0 : i32
      %dma_start3A_45 = tpu.memref_slice %arg4[%select_n3A, %sub3A_19, %dma_start3A] : memref<16x2x320xf32, #tpu.memory_space<hbm>> -> memref<1x1x320xf32, #tpu.memory_space<hbm>>
      %dma_start3A_46 = tpu.memref_squeeze %dma_start3A_45 : memref<1x1x320xf32, #tpu.memory_space<hbm>> -> memref<320xf32, #tpu.memory_space<hbm>>
      %dma_start3A_47 = arith.constant 0 : i32
      %dma_start3A_48 = tpu.memref_slice %arg4[%select_n3A, %sub3A_19, %dma_start3A_47] : memref<16x2x320xf32, #tpu.memory_space<hbm>> -> memref<1x1x320xf32, #tpu.memory_space<hbm>>
      %dma_start3A_49 = tpu.memref_squeeze %dma_start3A_48 : memref<1x1x320xf32, #tpu.memory_space<hbm>> -> memref<320xf32, #tpu.memory_space<hbm>>
      tpu.enqueue_dma source(%arg7 : memref<320xf32, #tpu.memory_space<vmem>>) target(%dma_start3A_49 : memref<320xf32, #tpu.memory_space<hbm>>) target_semaphore(%run_scoped3A : memref<!tpu.dma_semaphore, #tpu.memory_space<semaphore_mem>>)
      %dma_wait3A = arith.constant 0 : i32
      %dma_wait3A_50 = tpu.memref_slice %arg4[%select_n3A, %sub3A_19, %dma_wait3A] : memref<16x2x320xf32, #tpu.memory_space<hbm>> -> memref<1x1x320xf32, #tpu.memory_space<hbm>>
      %dma_wait3A_51 = tpu.memref_squeeze %dma_wait3A_50 : memref<1x1x320xf32, #tpu.memory_space<hbm>> -> memref<320xf32, #tpu.memory_space<hbm>>
      %dma_wait3A_52 = arith.constant 0 : i32
      %dma_wait3A_53 = tpu.memref_slice %arg4[%select_n3A, %sub3A_19, %dma_wait3A_52] : memref<16x2x320xf32, #tpu.memory_space<hbm>> -> memref<1x1x320xf32, #tpu.memory_space<hbm>>
      %dma_wait3A_54 = tpu.memref_squeeze %dma_wait3A_53 : memref<1x1x320xf32, #tpu.memory_space<hbm>> -> memref<320xf32, #tpu.memory_space<hbm>>
      tpu.wait_dma2 semaphore(%run_scoped3A : memref<!tpu.dma_semaphore, #tpu.memory_space<semaphore_mem>>) src(%arg7 : memref<320xf32, #tpu.memory_space<vmem>>) dst(%dma_wait3A_54 : memref<320xf32, #tpu.memory_space<hbm>>)
      tpu.yield
    }) : () -> ()
    "tpu.region"() ({
      %run_scoped3A = tpu.sem_alloc : memref<!tpu.dma_semaphore, #tpu.memory_space<semaphore_mem>>
      %dma_start3A = arith.constant 0 : i32
      %dma_start3A_45 = tpu.memref_slice %arg5[%select_n3A, %sub3A_19, %dma_start3A] : memref<16x2x320xi32, #tpu.memory_space<hbm>> -> memref<1x1x320xi32, #tpu.memory_space<hbm>>
      %dma_start3A_46 = tpu.memref_squeeze %dma_start3A_45 : memref<1x1x320xi32, #tpu.memory_space<hbm>> -> memref<320xi32, #tpu.memory_space<hbm>>
      %dma_start3A_47 = arith.constant 0 : i32
      %dma_start3A_48 = tpu.memref_slice %arg5[%select_n3A, %sub3A_19, %dma_start3A_47] : memref<16x2x320xi32, #tpu.memory_space<hbm>> -> memref<1x1x320xi32, #tpu.memory_space<hbm>>
      %dma_start3A_49 = tpu.memref_squeeze %dma_start3A_48 : memref<1x1x320xi32, #tpu.memory_space<hbm>> -> memref<320xi32, #tpu.memory_space<hbm>>
      tpu.enqueue_dma source(%arg8 : memref<320xi32, #tpu.memory_space<vmem>>) target(%dma_start3A_49 : memref<320xi32, #tpu.memory_space<hbm>>) target_semaphore(%run_scoped3A : memref<!tpu.dma_semaphore, #tpu.memory_space<semaphore_mem>>)
      %dma_wait3A = arith.constant 0 : i32
      %dma_wait3A_50 = tpu.memref_slice %arg5[%select_n3A, %sub3A_19, %dma_wait3A] : memref<16x2x320xi32, #tpu.memory_space<hbm>> -> memref<1x1x320xi32, #tpu.memory_space<hbm>>
      %dma_wait3A_51 = tpu.memref_squeeze %dma_wait3A_50 : memref<1x1x320xi32, #tpu.memory_space<hbm>> -> memref<320xi32, #tpu.memory_space<hbm>>
      %dma_wait3A_52 = arith.constant 0 : i32
      %dma_wait3A_53 = tpu.memref_slice %arg5[%select_n3A, %sub3A_19, %dma_wait3A_52] : memref<16x2x320xi32, #tpu.memory_space<hbm>> -> memref<1x1x320xi32, #tpu.memory_space<hbm>>
      %dma_wait3A_54 = tpu.memref_squeeze %dma_wait3A_53 : memref<1x1x320xi32, #tpu.memory_space<hbm>> -> memref<320xi32, #tpu.memory_space<hbm>>
      tpu.wait_dma2 semaphore(%run_scoped3A : memref<!tpu.dma_semaphore, #tpu.memory_space<semaphore_mem>>) src(%arg8 : memref<320xi32, #tpu.memory_space<vmem>>) dst(%dma_wait3A_54 : memref<320xi32, #tpu.memory_space<hbm>>)
      tpu.yield
    }) : () -> ()
    return
  }
}

module attributes {stable_mosaic.version = 14 : i64} {
  func.func @_bisect_body(%arg0: memref<16x160x128xf32, #tpu.memory_space<vmem>>, %arg1: memref<16x1x16xf32, #tpu.memory_space<vmem>>) attributes {dimension_semantics = [], scalar_prefetch = 0 : i64, scratch_operands = 0 : i64, tpu.core_type = #tpu.core_type<tc>} {
    %get3A = arith.constant 0 : index
    %get3A_0 = arith.constant 0 : index
    %get3A_1 = arith.constant 0 : index
    %get3A_2 = vector.load %arg0[%get3A, %get3A_0, %get3A_1] : memref<16x160x128xf32, #tpu.memory_space<vmem>>, vector<16x160x128xf32>
    %bitcast_convert_type3A = tpu.bitcast %get3A_2 : vector<16x160x128xf32> -> vector<16x160x128xi32>
    %broadcast_in_dim3A = arith.constant 0 : i32
    %broadcast_in_dim3A_3 = vector.broadcast %broadcast_in_dim3A : i32 to vector<16x1x1xi32>
    %broadcast_in_dim3A_4 = arith.constant 2147483647 : i32
    %broadcast_in_dim3A_5 = vector.broadcast %broadcast_in_dim3A_4 : i32 to vector<16x1x1xi32>
    %scan3A = arith.constant 0 : i32
    %scan3A_6 = arith.constant 31 : i32
    %scan3A_7 = arith.addi %scan3A, %scan3A_6 : i32
    %scan3A_8 = arith.constant 1 : i32
    %scan3A_9:2 = scf.for %scan3A_16 = %scan3A to %scan3A_7 step %scan3A_8 iter_args(%scan3A_17 = %broadcast_in_dim3A_3, %scan3A_18 = %broadcast_in_dim3A_5) -> (vector<16x1x1xi32>, vector<16x1x1xi32>)  : i32 {
      %sub3A = arith.subi %scan3A_18, %scan3A_17 : vector<16x1x1xi32>
      %jit3A = arith.constant 2 : i32
      %div3A = vector.broadcast %jit3A : i32 to vector<16x1x1xi32>
      %div3A_19 = arith.divsi %sub3A, %div3A : vector<16x1x1xi32>
      %sign3A = arith.constant 0 : i32
      %sign3A_20 = vector.broadcast %sign3A : i32 to vector<16x1x1xi32>
      %sign3A_21 = arith.cmpi sgt, %sub3A, %sign3A_20 : vector<16x1x1xi32>
      %sign3A_22 = arith.extui %sign3A_21 : vector<16x1x1xi1> to vector<16x1x1xi32>
      %sign3A_23 = arith.constant 0 : i32
      %sign3A_24 = vector.broadcast %sign3A_23 : i32 to vector<16x1x1xi32>
      %sign3A_25 = arith.cmpi slt, %sub3A, %sign3A_24 : vector<16x1x1xi32>
      %sign3A_26 = arith.extui %sign3A_25 : vector<16x1x1xi1> to vector<16x1x1xi32>
      %sign3A_27 = arith.subi %sign3A_22, %sign3A_26 : vector<16x1x1xi32>
      %sign3A_28 = arith.constant 0 : i32
      %sign3A_29 = arith.cmpi sgt, %jit3A, %sign3A_28 : i32
      %sign3A_30 = arith.extui %sign3A_29 : i1 to i32
      %sign3A_31 = arith.constant 0 : i32
      %sign3A_32 = arith.cmpi slt, %jit3A, %sign3A_31 : i32
      %sign3A_33 = arith.extui %sign3A_32 : i1 to i32
      %sign3A_34 = arith.subi %sign3A_30, %sign3A_33 : i32
      %ne3A = vector.broadcast %sign3A_34 : i32 to vector<16x1x1xi32>
      %ne3A_35 = arith.cmpi ne, %sign3A_27, %ne3A : vector<16x1x1xi32>
      %rem3A = vector.broadcast %jit3A : i32 to vector<16x1x1xi32>
      %rem3A_36 = arith.remsi %sub3A, %rem3A : vector<16x1x1xi32>
      %ne3A_37 = arith.constant 0 : i32
      %ne3A_38 = vector.broadcast %ne3A_37 : i32 to vector<16x1x1xi32>
      %ne3A_39 = arith.cmpi ne, %rem3A_36, %ne3A_38 : vector<16x1x1xi32>
      %and3A = arith.andi %ne3A_35, %ne3A_39 : vector<16x1x1xi1>
      %sub3A_40 = arith.constant 1 : i32
      %sub3A_41 = vector.broadcast %sub3A_40 : i32 to vector<16x1x1xi32>
      %sub3A_42 = arith.subi %div3A_19, %sub3A_41 : vector<16x1x1xi32>
      %select_n3A = arith.select %and3A, %sub3A_42, %div3A_19 : vector<16x1x1xi1>, vector<16x1x1xi32>
      %add3A = arith.addi %scan3A_17, %select_n3A : vector<16x1x1xi32>
      %ge3A = vector.broadcast %add3A : vector<16x1x1xi32> to vector<16x160x128xi32>
      %ge3A_43 = arith.cmpi sge, %bitcast_convert_type3A, %ge3A : vector<16x160x128xi32>
      %convert_element_type3A = arith.extui %ge3A_43 : vector<16x160x128xi1> to vector<16x160x128xi32>
      %reduce_sum3A = arith.constant dense<0> : vector<16x128xi32>
      %reduce_sum3A_44 = vector.multi_reduction <add>, %convert_element_type3A, %reduce_sum3A [1] : vector<16x160x128xi32> to vector<16x128xi32>
      %broadcast_in_dim3A_45 = vector.shape_cast %reduce_sum3A_44 : vector<16x128xi32> to vector<16x1x128xi32>
      %reduce_sum3A_46 = arith.constant dense<0> : vector<16x1xi32>
      %reduce_sum3A_47 = vector.multi_reduction <add>, %broadcast_in_dim3A_45, %reduce_sum3A_46 [2] : vector<16x1x128xi32> to vector<16x1xi32>
      %broadcast_in_dim3A_48 = vector.shape_cast %reduce_sum3A_47 : vector<16x1xi32> to vector<16x1x1xi32>
      %ge3A_49 = arith.constant 200 : i32
      %ge3A_50 = vector.broadcast %ge3A_49 : i32 to vector<16x1x1xi32>
      %ge3A_51 = arith.cmpi sge, %broadcast_in_dim3A_48, %ge3A_50 : vector<16x1x1xi32>
      %select_n3A_52 = arith.select %ge3A_51, %add3A, %scan3A_17 : vector<16x1x1xi1>, vector<16x1x1xi32>
      %select_n3A_53 = arith.select %ge3A_51, %scan3A_18, %add3A : vector<16x1x1xi1>, vector<16x1x1xi32>
      scf.yield %select_n3A_52, %select_n3A_53 : vector<16x1x1xi32>, vector<16x1x1xi32>
    }
    %bitcast_convert_type3A_10 = tpu.bitcast %scan3A_9#0 : vector<16x1x1xi32> -> vector<16x1x1xf32>
    %broadcast_in_dim3A_11 = vector.shape_cast %bitcast_convert_type3A_10 : vector<16x1x1xf32> to vector<16x1x1xf32>
    %broadcast_in_dim3A_12 = vector.broadcast %broadcast_in_dim3A_11 : vector<16x1x1xf32> to vector<16x1x16xf32>
    %swap3A = arith.constant 0 : index
    %swap3A_13 = arith.constant 0 : index
    %swap3A_14 = arith.constant 0 : index
    %swap3A_15 = vector.load %arg1[%swap3A, %swap3A_13, %swap3A_14] : memref<16x1x16xf32, #tpu.memory_space<vmem>>, vector<16x1x16xf32>
    tpu.vector_store %arg1[%swap3A, %swap3A_13, %swap3A_14], %broadcast_in_dim3A_12 {strides = array<i32>} : memref<16x1x16xf32, #tpu.memory_space<vmem>>, vector<16x1x16xf32>,
    return
  }
}

module attributes {stable_mosaic.version = 14 : i64} {
  func.func @_decode_body(%arg0: i32, %arg1: i32, %arg2: memref<1x21x1024xf32, #tpu.memory_space<vmem>>, %arg3: memref<1x4x1024xf32, #tpu.memory_space<vmem>>, %arg4: memref<4x1024xf32, #tpu.memory_space<vmem>>, %arg5: memref<1x1024x8xf32, #tpu.memory_space<vmem>>, %arg6: memref<1x1x1x1024xf32, #tpu.memory_space<vmem>>) attributes {dimension_semantics = [#tpu.dimension_semantics<arbitrary>, #tpu.dimension_semantics<arbitrary>], iteration_bounds = array<i64: 16, 20>, scalar_prefetch = 0 : i64, scratch_operands = 0 : i64, tpu.core_type = #tpu.core_type<tc>, window_params = [{transform_indices = @transform_0, window_bounds = array<i64: 1, 21, 1024>}, {transform_indices = @transform_1, window_bounds = array<i64: 1, 4, 1024>}, {transform_indices = @transform_2, window_bounds = array<i64: 4, 1024>}, {transform_indices = @transform_3, window_bounds = array<i64: 1, 1024, 8>}, {transform_indices = @transform_4, window_bounds = array<i64: 1, 1, 1, 1024>}]} {
    %get3A = arith.constant 0 : index
    %get3A_0 = arith.constant 0 : index
    %get3A_1 = arith.constant 0 : index
    %get3A_2 = vector.load %arg2[%get3A, %get3A_0, %get3A_1] : memref<1x21x1024xf32, #tpu.memory_space<vmem>>, vector<1x21x1024xf32>
    %get3A_3 = vector.shape_cast %get3A_2 : vector<1x21x1024xf32> to vector<21x1024xf32>
    %reduce_max3A = arith.constant dense<0xFF800000> : vector<1024xf32>
    %reduce_max3A_4 = vector.multi_reduction <maximumf>, %get3A_3, %reduce_max3A [0] : vector<21x1024xf32> to vector<1024xf32>
    %broadcast_in_dim3A = vector.shape_cast %reduce_max3A_4 : vector<1024xf32> to vector<1x1024xf32>
    %sub3A = vector.broadcast %broadcast_in_dim3A : vector<1x1024xf32> to vector<21x1024xf32>
    %sub3A_5 = arith.subf %get3A_3, %sub3A : vector<21x1024xf32>
    %exp3A = math.exp %sub3A_5 : vector<21x1024xf32>
    %reduce_sum3A = arith.constant dense<0.000000e+00> : vector<1024xf32>
    %reduce_sum3A_6 = vector.multi_reduction <add>, %exp3A, %reduce_sum3A [0] : vector<21x1024xf32> to vector<1024xf32>
    %broadcast_in_dim3A_7 = vector.shape_cast %reduce_sum3A_6 : vector<1024xf32> to vector<1x1024xf32>
    %slice3A = vector.extract_strided_slice %exp3A {offsets = [1, 0], sizes = [20, 1024], strides = [1, 1]} : vector<21x1024xf32> to vector<20x1024xf32>
    %reduce_max3A_8 = arith.constant dense<0xFF800000> : vector<1024xf32>
    %reduce_max3A_9 = vector.multi_reduction <maximumf>, %slice3A, %reduce_max3A_8 [0] : vector<20x1024xf32> to vector<1024xf32>
    %broadcast_in_dim3A_10 = vector.shape_cast %reduce_max3A_9 : vector<1024xf32> to vector<1x1024xf32>
    %div3A = arith.divf %broadcast_in_dim3A_10, %broadcast_in_dim3A_7 : vector<1x1024xf32>
    %iota3A = tpu.iota {dimensions = array<i32: 0>} : vector<20x1024xi32>
    %ge3A = vector.broadcast %broadcast_in_dim3A_10 : vector<1x1024xf32> to vector<20x1024xf32>
    %ge3A_11 = arith.cmpf oge, %slice3A, %ge3A : vector<20x1024xf32>
    %jit3A = arith.constant 1073741824 : i32
    %broadcast_in_dim3A_12 = vector.broadcast %jit3A : i32 to vector<20x1024xi32>
    %select_n3A = arith.select %ge3A_11, %iota3A, %broadcast_in_dim3A_12 : vector<20x1024xi1>, vector<20x1024xi32>
    %reduce_min3A = arith.constant dense<2147483647> : vector<1024xi32>
    %reduce_min3A_13 = vector.multi_reduction <minsi>, %select_n3A, %reduce_min3A [0] : vector<20x1024xi32> to vector<1024xi32>
    %broadcast_in_dim3A_14 = vector.shape_cast %reduce_min3A_13 : vector<1024xi32> to vector<1x1024xi32>
    %add3A = arith.constant 1 : i32
    %add3A_15 = vector.broadcast %add3A : i32 to vector<1x1024xi32>
    %add3A_16 = arith.addi %broadcast_in_dim3A_14, %add3A_15 : vector<1x1024xi32>
    %iota3A_17 = tpu.iota {dimensions = array<i32: 1>} : vector<1x1024xi32>
    %mul3A = arith.constant 1024 : i32
    %mul3A_18 = arith.muli %arg1, %mul3A : i32
    %add3A_19 = vector.broadcast %mul3A_18 : i32 to vector<1x1024xi32>
    %add3A_20 = arith.addi %add3A_19, %iota3A_17 : vector<1x1024xi32>
    %lt3A = arith.constant 20000 : i32
    %lt3A_21 = vector.broadcast %lt3A : i32 to vector<1x1024xi32>
    %lt3A_22 = arith.cmpi slt, %add3A_20, %lt3A_21 : vector<1x1024xi32>
    %jit3A_23 = arith.constant 0xFF800000 : f32
    %broadcast_in_dim3A_24 = vector.broadcast %jit3A_23 : f32 to vector<1x1024xf32>
    %select_n3A_25 = arith.select %lt3A_22, %div3A, %broadcast_in_dim3A_24 : vector<1x1024xi1>, vector<1x1024xf32>
    %jit3A_26 = arith.constant 0 : i32
    %broadcast_in_dim3A_27 = vector.broadcast %jit3A_26 : i32 to vector<1x1024xi32>
    %select_n3A_28 = arith.select %lt3A_22, %add3A_16, %broadcast_in_dim3A_27 : vector<1x1024xi1>, vector<1x1024xi32>
    %convert_element_type3A = arith.sitofp %select_n3A_28 : vector<1x1024xi32> to vector<1x1024xf32>
    %get3A_29 = arith.constant 0 : index
    %get3A_30 = arith.constant 0 : index
    %get3A_31 = arith.constant 0 : index
    %get3A_32 = vector.load %arg3[%get3A_29, %get3A_30, %get3A_31] : memref<1x4x1024xf32, #tpu.memory_space<vmem>>, vector<1x4x1024xf32>
    %get3A_33 = vector.shape_cast %get3A_32 : vector<1x4x1024xf32> to vector<4x1024xf32>
    %get3A_34 = arith.constant 0 : index
    %get3A_35 = arith.constant 0 : index
    %get3A_36 = vector.load %arg4[%get3A_34, %get3A_35] : memref<4x1024xf32, #tpu.memory_space<vmem>>, vector<4x1024xf32>
    %slice3A_37 = vector.extract_strided_slice %get3A_33 {offsets = [0, 0], sizes = [1, 1024], strides = [1, 1]} : vector<4x1024xf32> to vector<1x1024xf32>
    %mul3A_38 = arith.constant 1.000000e-01 : f32
    %mul3A_39 = vector.broadcast %mul3A_38 : f32 to vector<1x1024xf32>
    %mul3A_40 = arith.mulf %slice3A_37, %mul3A_39 : vector<1x1024xf32>
    %slice3A_41 = vector.extract_strided_slice %get3A_36 {offsets = [2, 0], sizes = [1, 1024], strides = [1, 1]} : vector<4x1024xf32> to vector<1x1024xf32>
    %mul3A_42 = arith.mulf %mul3A_40, %slice3A_41 : vector<1x1024xf32>
    %slice3A_43 = vector.extract_strided_slice %get3A_36 {offsets = [0, 0], sizes = [1, 1024], strides = [1, 1]} : vector<4x1024xf32> to vector<1x1024xf32>
    %add3A_44 = arith.addf %mul3A_42, %slice3A_43 : vector<1x1024xf32>
    %slice3A_45 = vector.extract_strided_slice %get3A_33 {offsets = [1, 0], sizes = [1, 1024], strides = [1, 1]} : vector<4x1024xf32> to vector<1x1024xf32>
    %mul3A_46 = arith.constant 1.000000e-01 : f32
    %mul3A_47 = vector.broadcast %mul3A_46 : f32 to vector<1x1024xf32>
    %mul3A_48 = arith.mulf %slice3A_45, %mul3A_47 : vector<1x1024xf32>
    %slice3A_49 = vector.extract_strided_slice %get3A_36 {offsets = [3, 0], sizes = [1, 1024], strides = [1, 1]} : vector<4x1024xf32> to vector<1x1024xf32>
    %mul3A_50 = arith.mulf %mul3A_48, %slice3A_49 : vector<1x1024xf32>
    %slice3A_51 = vector.extract_strided_slice %get3A_36 {offsets = [1, 0], sizes = [1, 1024], strides = [1, 1]} : vector<4x1024xf32> to vector<1x1024xf32>
    %add3A_52 = arith.addf %mul3A_50, %slice3A_51 : vector<1x1024xf32>
    %slice3A_53 = vector.extract_strided_slice %get3A_33 {offsets = [2, 0], sizes = [1, 1024], strides = [1, 1]} : vector<4x1024xf32> to vector<1x1024xf32>
    %mul3A_54 = arith.constant 2.000000e-01 : f32
    %mul3A_55 = vector.broadcast %mul3A_54 : f32 to vector<1x1024xf32>
    %mul3A_56 = arith.mulf %slice3A_53, %mul3A_55 : vector<1x1024xf32>
    %exp3A_57 = math.exp %mul3A_56 : vector<1x1024xf32>
    %slice3A_58 = vector.extract_strided_slice %get3A_36 {offsets = [2, 0], sizes = [1, 1024], strides = [1, 1]} : vector<4x1024xf32> to vector<1x1024xf32>
    %mul3A_59 = arith.mulf %exp3A_57, %slice3A_58 : vector<1x1024xf32>
    %slice3A_60 = vector.extract_strided_slice %get3A_33 {offsets = [3, 0], sizes = [1, 1024], strides = [1, 1]} : vector<4x1024xf32> to vector<1x1024xf32>
    %mul3A_61 = arith.constant 2.000000e-01 : f32
    %mul3A_62 = vector.broadcast %mul3A_61 : f32 to vector<1x1024xf32>
    %mul3A_63 = arith.mulf %slice3A_60, %mul3A_62 : vector<1x1024xf32>
    %exp3A_64 = math.exp %mul3A_63 : vector<1x1024xf32>
    %slice3A_65 = vector.extract_strided_slice %get3A_36 {offsets = [3, 0], sizes = [1, 1024], strides = [1, 1]} : vector<4x1024xf32> to vector<1x1024xf32>
    %mul3A_66 = arith.mulf %exp3A_64, %slice3A_65 : vector<1x1024xf32>
    %mul3A_67 = arith.constant 5.000000e-01 : f32
    %mul3A_68 = vector.broadcast %mul3A_67 : f32 to vector<1x1024xf32>
    %mul3A_69 = arith.mulf %mul3A_59, %mul3A_68 : vector<1x1024xf32>
    %sub3A_70 = arith.subf %add3A_44, %mul3A_69 : vector<1x1024xf32>
    %mul3A_71 = arith.constant 5.000000e-01 : f32
    %mul3A_72 = vector.broadcast %mul3A_71 : f32 to vector<1x1024xf32>
    %mul3A_73 = arith.mulf %mul3A_66, %mul3A_72 : vector<1x1024xf32>
    %sub3A_74 = arith.subf %add3A_52, %mul3A_73 : vector<1x1024xf32>
    %mul3A_75 = arith.constant 5.000000e-01 : f32
    %mul3A_76 = vector.broadcast %mul3A_75 : f32 to vector<1x1024xf32>
    %mul3A_77 = arith.mulf %mul3A_59, %mul3A_76 : vector<1x1024xf32>
    %add3A_78 = arith.addf %add3A_44, %mul3A_77 : vector<1x1024xf32>
    %mul3A_79 = arith.constant 5.000000e-01 : f32
    %mul3A_80 = vector.broadcast %mul3A_79 : f32 to vector<1x1024xf32>
    %mul3A_81 = arith.mulf %mul3A_66, %mul3A_80 : vector<1x1024xf32>
    %add3A_82 = arith.addf %add3A_52, %mul3A_81 : vector<1x1024xf32>
    %broadcast_in_dim3A_83 = arith.constant 0.000000e+00 : f32
    %broadcast_in_dim3A_84 = vector.broadcast %broadcast_in_dim3A_83 : f32 to vector<1x1024xf32>
    %concatenate3A = tpu.concatenate %select_n3A_25, %convert_element_type3A, %sub3A_70, %sub3A_74, %add3A_78, %add3A_82, %broadcast_in_dim3A_84, %broadcast_in_dim3A_84 in 0 : vector<1x1024xf32>, vector<1x1024xf32>, vector<1x1024xf32>, vector<1x1024xf32>, vector<1x1024xf32>, vector<1x1024xf32>, vector<1x1024xf32>, vector<1x1024xf32> -> vector<8x1024xf32>
    %transpose3A = tpu.transpose %concatenate3A, [1, 0] : vector<8x1024xf32> -> vector<1024x8xf32>
    %swap3A = arith.constant 0 : index
    %swap3A_85 = arith.constant 0 : index
    %swap3A_86 = arith.constant 0 : index
    %swap3A_87 = vector.load %arg5[%swap3A, %swap3A_85, %swap3A_86] : memref<1x1024x8xf32, #tpu.memory_space<vmem>>, vector<1x1024x8xf32>
    %swap3A_88 = vector.shape_cast %swap3A_87 : vector<1x1024x8xf32> to vector<1024x8xf32>
    %swap3A_89 = vector.shape_cast %transpose3A : vector<1024x8xf32> to vector<1x1024x8xf32>
    tpu.vector_store %arg5[%swap3A, %swap3A_85, %swap3A_86], %swap3A_89 {strides = array<i32>} : memref<1x1024x8xf32, #tpu.memory_space<vmem>>, vector<1x1024x8xf32>,
    %swap3A_90 = arith.constant 0 : index
    %swap3A_91 = arith.constant 0 : index
    %swap3A_92 = arith.constant 0 : index
    %swap3A_93 = arith.constant 0 : index
    %swap3A_94 = vector.load %arg6[%swap3A_90, %swap3A_91, %swap3A_92, %swap3A_93] : memref<1x1x1x1024xf32, #tpu.memory_space<vmem>>, vector<1x1x1x1024xf32>
    %swap3A_95 = vector.shape_cast %swap3A_94 : vector<1x1x1x1024xf32> to vector<1x1024xf32>
    %swap3A_96 = vector.shape_cast %select_n3A_25 : vector<1x1024xf32> to vector<1x1x1x1024xf32>
    tpu.vector_store %arg6[%swap3A_90, %swap3A_91, %swap3A_92, %swap3A_93], %swap3A_96 {strides = array<i32>} : memref<1x1x1x1024xf32, #tpu.memory_space<vmem>>, vector<1x1x1x1024xf32>,
    return
  }
  func.func @transform_0(%arg0: i32, %arg1: i32) -> (i32, i32, i32) {
    %c0_i32 = arith.constant 0 : i32
    %c0_i32_0 = arith.constant 0 : i32
    return %arg0, %c0_i32, %arg1 : i32, i32, i32
  }
  func.func @transform_1(%arg0: i32, %arg1: i32) -> (i32, i32, i32) {
    %c0_i32 = arith.constant 0 : i32
    %c0_i32_0 = arith.constant 0 : i32
    return %arg0, %c0_i32, %arg1 : i32, i32, i32
  }
  func.func @transform_2(%arg0: i32, %arg1: i32) -> (i32, i32) {
    %c0_i32 = arith.constant 0 : i32
    %c0_i32_0 = arith.constant 0 : i32
    return %c0_i32, %arg1 : i32, i32
  }
  func.func @transform_3(%arg0: i32, %arg1: i32) -> (i32, i32, i32) {
    %c0_i32 = arith.constant 0 : i32
    %c0_i32_0 = arith.constant 0 : i32
    return %arg0, %arg1, %c0_i32 : i32, i32, i32
  }
  func.func @transform_4(%arg0: i32, %arg1: i32) -> (i32, i32, i32, i32) {
    %c0_i32 = arith.constant 0 : i32
    %c0_i32_0 = arith.constant 0 : i32
    %c0_i32_1 = arith.constant 0 : i32
    return %arg0, %arg1, %c0_i32, %c0_i32_0 : i32, i32, i32, i32
  }
}

module attributes {stable_mosaic.version = 14 : i64} {
  func.func @_sort_body(%arg0: memref<16x1x640xf32, #tpu.memory_space<vmem>>, %arg1: memref<16x1x640xi32, #tpu.memory_space<vmem>>, %arg2: memref<16x1x256xf32, #tpu.memory_space<vmem>>, %arg3: memref<16x1x256xi32, #tpu.memory_space<vmem>>) attributes {dimension_semantics = [], scalar_prefetch = 0 : i64, scratch_operands = 0 : i64, tpu.core_type = #tpu.core_type<tc>} {
    %get3A = arith.constant 0 : index
    %get3A_0 = arith.constant 0 : index
    %get3A_1 = arith.constant 0 : index
    %get3A_2 = vector.load %arg0[%get3A, %get3A_0, %get3A_1] : memref<16x1x640xf32, #tpu.memory_space<vmem>>, vector<16x1x640xf32>
    %get3A_3 = arith.constant 0 : index
    %get3A_4 = arith.constant 0 : index
    %get3A_5 = arith.constant 0 : index
    %get3A_6 = vector.load %arg1[%get3A_3, %get3A_4, %get3A_5] : memref<16x1x640xi32, #tpu.memory_space<vmem>>, vector<16x1x640xi32>
    %iota3A = tpu.iota {dimensions = array<i32: 2>} : vector<16x1x256xi32>
    %iota3A_7 = tpu.iota {dimensions = array<i32: 0>} : vector<16x1x256xi32>
    %broadcast_in_dim3A = arith.constant 0xFF800000 : f32
    %broadcast_in_dim3A_8 = vector.broadcast %broadcast_in_dim3A : f32 to vector<16x1x256xf32>
    %broadcast_in_dim3A_9 = arith.constant 0 : i32
    %broadcast_in_dim3A_10 = vector.broadcast %broadcast_in_dim3A_9 : i32 to vector<16x1x256xi32>
    %scan3A = arith.constant 0 : i32
    %scan3A_11 = arith.constant 200 : i32
    %scan3A_12 = arith.addi %scan3A, %scan3A_11 : i32
    %scan3A_13 = arith.constant 1 : i32
    %scan3A_14:3 = scf.for %scan3A_25 = %scan3A to %scan3A_12 step %scan3A_13 iter_args(%scan3A_26 = %get3A_2, %scan3A_27 = %broadcast_in_dim3A_8, %scan3A_28 = %broadcast_in_dim3A_10) -> (vector<16x1x640xf32>, vector<16x1x256xf32>, vector<16x1x256xi32>)  : i32 {
      %reduce_max3A = arith.constant dense<0xFF800000> : vector<16x640xf32>
      %reduce_max3A_29 = vector.multi_reduction <maximumf>, %scan3A_26, %reduce_max3A [1] : vector<16x1x640xf32> to vector<16x640xf32>
      %broadcast_in_dim3A_30 = vector.shape_cast %reduce_max3A_29 : vector<16x640xf32> to vector<16x1x640xf32>
      %reduce_max3A_31 = arith.constant dense<0xFF800000> : vector<16x1xf32>
      %reduce_max3A_32 = vector.multi_reduction <maximumf>, %broadcast_in_dim3A_30, %reduce_max3A_31 [2] : vector<16x1x640xf32> to vector<16x1xf32>
      %broadcast_in_dim3A_33 = vector.shape_cast %reduce_max3A_32 : vector<16x1xf32> to vector<16x1x1xf32>
      %eq3A = vector.broadcast %broadcast_in_dim3A_33 : vector<16x1x1xf32> to vector<16x1x640xf32>
      %eq3A_34 = arith.cmpf oeq, %scan3A_26, %eq3A : vector<16x1x640xf32>
      %jit3A = arith.constant 1073741824 : i32
      %broadcast_in_dim3A_35 = vector.broadcast %jit3A : i32 to vector<16x1x640xi32>
      %select_n3A = arith.select %eq3A_34, %get3A_6, %broadcast_in_dim3A_35 : vector<16x1x640xi1>, vector<16x1x640xi32>
      %reduce_min3A = arith.constant dense<2147483647> : vector<16x640xi32>
      %reduce_min3A_36 = vector.multi_reduction <minsi>, %select_n3A, %reduce_min3A [1] : vector<16x1x640xi32> to vector<16x640xi32>
      %broadcast_in_dim3A_37 = vector.shape_cast %reduce_min3A_36 : vector<16x640xi32> to vector<16x1x640xi32>
      %reduce_min3A_38 = arith.constant dense<2147483647> : vector<16x1xi32>
      %reduce_min3A_39 = vector.multi_reduction <minsi>, %broadcast_in_dim3A_37, %reduce_min3A_38 [2] : vector<16x1x640xi32> to vector<16x1xi32>
      %broadcast_in_dim3A_40 = vector.shape_cast %reduce_min3A_39 : vector<16x1xi32> to vector<16x1x1xi32>
      %eq3A_41 = vector.broadcast %scan3A_25 : i32 to vector<16x1x256xi32>
      %eq3A_42 = arith.cmpi eq, %iota3A, %eq3A_41 : vector<16x1x256xi32>
      %broadcast_in_dim3A_43 = vector.shape_cast %broadcast_in_dim3A_33 : vector<16x1x1xf32> to vector<16x1x1xf32>
      %broadcast_in_dim3A_44 = vector.broadcast %broadcast_in_dim3A_43 : vector<16x1x1xf32> to vector<16x1x256xf32>
      %select_n3A_45 = arith.select %eq3A_42, %broadcast_in_dim3A_44, %scan3A_27 : vector<16x1x256xi1>, vector<16x1x256xf32>
      %eq3A_46 = vector.broadcast %scan3A_25 : i32 to vector<16x1x256xi32>
      %eq3A_47 = arith.cmpi eq, %iota3A, %eq3A_46 : vector<16x1x256xi32>
      %broadcast_in_dim3A_48 = vector.shape_cast %broadcast_in_dim3A_40 : vector<16x1x1xi32> to vector<16x1x1xi32>
      %broadcast_in_dim3A_49 = vector.broadcast %broadcast_in_dim3A_48 : vector<16x1x1xi32> to vector<16x1x256xi32>
      %select_n3A_50 = arith.select %eq3A_47, %broadcast_in_dim3A_49, %scan3A_28 : vector<16x1x256xi1>, vector<16x1x256xi32>
      %eq3A_51 = vector.broadcast %broadcast_in_dim3A_40 : vector<16x1x1xi32> to vector<16x1x640xi32>
      %eq3A_52 = arith.cmpi eq, %get3A_6, %eq3A_51 : vector<16x1x640xi32>
      %jit3A_53 = arith.constant 0xFF800000 : f32
      %broadcast_in_dim3A_54 = vector.broadcast %jit3A_53 : f32 to vector<16x1x640xf32>
      %select_n3A_55 = arith.select %eq3A_52, %broadcast_in_dim3A_54, %scan3A_26 : vector<16x1x640xi1>, vector<16x1x640xf32>
      scf.yield %select_n3A_55, %select_n3A_45, %select_n3A_50 : vector<16x1x640xf32>, vector<16x1x256xf32>, vector<16x1x256xi32>
    }
    %scan3A_15 = arith.constant 200 : i32
    %swap3A = arith.constant 0 : index
    %swap3A_16 = arith.constant 0 : index
    %swap3A_17 = arith.constant 0 : index
    %swap3A_18 = vector.load %arg2[%swap3A, %swap3A_16, %swap3A_17] : memref<16x1x256xf32, #tpu.memory_space<vmem>>, vector<16x1x256xf32>
    tpu.vector_store %arg2[%swap3A, %swap3A_16, %swap3A_17], %scan3A_14#1 {strides = array<i32>} : memref<16x1x256xf32, #tpu.memory_space<vmem>>, vector<16x1x256xf32>,
    %mul3A = arith.constant 20480 : i32
    %mul3A_19 = vector.broadcast %mul3A : i32 to vector<16x1x256xi32>
    %mul3A_20 = arith.muli %iota3A_7, %mul3A_19 : vector<16x1x256xi32>
    %add3A = arith.addi %scan3A_14#2, %mul3A_20 : vector<16x1x256xi32>
    %swap3A_21 = arith.constant 0 : index
    %swap3A_22 = arith.constant 0 : index
    %swap3A_23 = arith.constant 0 : index
    %swap3A_24 = vector.load %arg3[%swap3A_21, %swap3A_22, %swap3A_23] : memref<16x1x256xi32, #tpu.memory_space<vmem>>, vector<16x1x256xi32>
    tpu.vector_store %arg3[%swap3A_21, %swap3A_22, %swap3A_23], %add3A {strides = array<i32>} : memref<16x1x256xi32, #tpu.memory_space<vmem>>, vector<16x1x256xi32>,
    return
  }
}

module attributes {stable_mosaic.version = 14 : i64} {
  func.func @_nms_body(%arg0: memref<16x256x8xf32, #tpu.memory_space<vmem>>, %arg1: memref<16x1x256xf32, #tpu.memory_space<vmem>>, %arg2: memref<16x200x4xf32, #tpu.memory_space<vmem>>, %arg3: memref<16x1x200xf32, #tpu.memory_space<vmem>>, %arg4: memref<16x1x200xi32, #tpu.memory_space<vmem>>, %arg5: memref<16x1x200xi32, #tpu.memory_space<vmem>>, %arg6: memref<16x256x256xf32, #tpu.memory_space<vmem>>) attributes {dimension_semantics = [], scalar_prefetch = 0 : i64, scratch_operands = 1 : i64, tpu.core_type = #tpu.core_type<tc>} {
    %iota3A = tpu.iota {dimensions = array<i32: 2>} : vector<16x1x256xi32>
    %get3A = arith.constant 0 : index
    %get3A_0 = arith.constant 0 : index
    %get3A_1 = arith.constant 0 : index
    %get3A_2 = vector.load %arg0[%get3A, %get3A_0, %get3A_1] : memref<16x256x8xf32, #tpu.memory_space<vmem>>, vector<16x256x8xf32>
    %slice3A = vector.extract_strided_slice %get3A_2 {offsets = [0, 0, 1], sizes = [16, 256, 1], strides = [1, 1, 1]} : vector<16x256x8xf32> to vector<16x256x1xf32>
    %slice3A_3 = vector.extract_strided_slice %get3A_2 {offsets = [0, 0, 2], sizes = [16, 256, 1], strides = [1, 1, 1]} : vector<16x256x8xf32> to vector<16x256x1xf32>
    %slice3A_4 = vector.extract_strided_slice %get3A_2 {offsets = [0, 0, 3], sizes = [16, 256, 1], strides = [1, 1, 1]} : vector<16x256x8xf32> to vector<16x256x1xf32>
    %slice3A_5 = vector.extract_strided_slice %get3A_2 {offsets = [0, 0, 4], sizes = [16, 256, 1], strides = [1, 1, 1]} : vector<16x256x8xf32> to vector<16x256x1xf32>
    %slice3A_6 = vector.extract_strided_slice %get3A_2 {offsets = [0, 0, 5], sizes = [16, 256, 1], strides = [1, 1, 1]} : vector<16x256x8xf32> to vector<16x256x1xf32>
    %broadcast_in_dim3A = arith.constant 0.000000e+00 : f32
    %broadcast_in_dim3A_7 = vector.broadcast %broadcast_in_dim3A : f32 to vector<16x1x256xf32>
    %scan3A = arith.constant 0 : i32
    %scan3A_8 = arith.constant 200 : i32
    %scan3A_9 = arith.addi %scan3A, %scan3A_8 : i32
    %scan3A_10 = arith.constant 1 : i32
    %scan3A_11:5 = scf.for %scan3A_105 = %scan3A to %scan3A_9 step %scan3A_10 iter_args(%scan3A_106 = %broadcast_in_dim3A_7, %scan3A_107 = %broadcast_in_dim3A_7, %scan3A_108 = %broadcast_in_dim3A_7, %scan3A_109 = %broadcast_in_dim3A_7, %scan3A_110 = %broadcast_in_dim3A_7) -> (vector<16x1x256xf32>, vector<16x1x256xf32>, vector<16x1x256xf32>, vector<16x1x256xf32>, vector<16x1x256xf32>)  : i32 {
      %get3A_111 = arith.constant 0 : index
      %get3A_112 = arith.index_cast %scan3A_105 : i32 to index
      %get3A_113 = arith.constant 0 : index
      %get3A_114 = vector.load %arg0[%get3A_111, %get3A_112, %get3A_113] : memref<16x256x8xf32, #tpu.memory_space<vmem>>, vector<16x1x8xf32>
      %eq3A_115 = vector.broadcast %scan3A_105 : i32 to vector<16x1x256xi32>
      %eq3A_116 = arith.cmpi eq, %iota3A, %eq3A_115 : vector<16x1x256xi32>
      %slice3A_117 = vector.extract_strided_slice %get3A_114 {offsets = [0, 0, 2], sizes = [16, 1, 1], strides = [1, 1, 1]} : vector<16x1x8xf32> to vector<16x1x1xf32>
      %broadcast_in_dim3A_118 = vector.shape_cast %slice3A_117 : vector<16x1x1xf32> to vector<16x1x1xf32>
      %broadcast_in_dim3A_119 = vector.broadcast %broadcast_in_dim3A_118 : vector<16x1x1xf32> to vector<16x1x256xf32>
      %select_n3A_120 = arith.select %eq3A_116, %broadcast_in_dim3A_119, %scan3A_106 : vector<16x1x256xi1>, vector<16x1x256xf32>
      %slice3A_121 = vector.extract_strided_slice %get3A_114 {offsets = [0, 0, 3], sizes = [16, 1, 1], strides = [1, 1, 1]} : vector<16x1x8xf32> to vector<16x1x1xf32>
      %broadcast_in_dim3A_122 = vector.shape_cast %slice3A_121 : vector<16x1x1xf32> to vector<16x1x1xf32>
      %broadcast_in_dim3A_123 = vector.broadcast %broadcast_in_dim3A_122 : vector<16x1x1xf32> to vector<16x1x256xf32>
      %select_n3A_124 = arith.select %eq3A_116, %broadcast_in_dim3A_123, %scan3A_107 : vector<16x1x256xi1>, vector<16x1x256xf32>
      %slice3A_125 = vector.extract_strided_slice %get3A_114 {offsets = [0, 0, 4], sizes = [16, 1, 1], strides = [1, 1, 1]} : vector<16x1x8xf32> to vector<16x1x1xf32>
      %broadcast_in_dim3A_126 = vector.shape_cast %slice3A_125 : vector<16x1x1xf32> to vector<16x1x1xf32>
      %broadcast_in_dim3A_127 = vector.broadcast %broadcast_in_dim3A_126 : vector<16x1x1xf32> to vector<16x1x256xf32>
      %select_n3A_128 = arith.select %eq3A_116, %broadcast_in_dim3A_127, %scan3A_108 : vector<16x1x256xi1>, vector<16x1x256xf32>
      %slice3A_129 = vector.extract_strided_slice %get3A_114 {offsets = [0, 0, 5], sizes = [16, 1, 1], strides = [1, 1, 1]} : vector<16x1x8xf32> to vector<16x1x1xf32>
      %broadcast_in_dim3A_130 = vector.shape_cast %slice3A_129 : vector<16x1x1xf32> to vector<16x1x1xf32>
      %broadcast_in_dim3A_131 = vector.broadcast %broadcast_in_dim3A_130 : vector<16x1x1xf32> to vector<16x1x256xf32>
      %select_n3A_132 = arith.select %eq3A_116, %broadcast_in_dim3A_131, %scan3A_109 : vector<16x1x256xi1>, vector<16x1x256xf32>
      %slice3A_133 = vector.extract_strided_slice %get3A_114 {offsets = [0, 0, 1], sizes = [16, 1, 1], strides = [1, 1, 1]} : vector<16x1x8xf32> to vector<16x1x1xf32>
      %broadcast_in_dim3A_134 = vector.shape_cast %slice3A_133 : vector<16x1x1xf32> to vector<16x1x1xf32>
      %broadcast_in_dim3A_135 = vector.broadcast %broadcast_in_dim3A_134 : vector<16x1x1xf32> to vector<16x1x256xf32>
      %select_n3A_136 = arith.select %eq3A_116, %broadcast_in_dim3A_135, %scan3A_110 : vector<16x1x256xi1>, vector<16x1x256xf32>
      scf.yield %select_n3A_120, %select_n3A_124, %select_n3A_128, %select_n3A_132, %select_n3A_136 : vector<16x1x256xf32>, vector<16x1x256xf32>, vector<16x1x256xf32>, vector<16x1x256xf32>, vector<16x1x256xf32>
    }
    %scan3A_12 = arith.constant 200 : i32
    %max3A = vector.broadcast %slice3A_3 : vector<16x256x1xf32> to vector<16x256x256xf32>
    %max3A_13 = vector.broadcast %scan3A_11#0 : vector<16x1x256xf32> to vector<16x256x256xf32>
    %max3A_14 = arith.maximumf %max3A, %max3A_13 : vector<16x256x256xf32>
    %max3A_15 = vector.broadcast %slice3A_4 : vector<16x256x1xf32> to vector<16x256x256xf32>
    %max3A_16 = vector.broadcast %scan3A_11#1 : vector<16x1x256xf32> to vector<16x256x256xf32>
    %max3A_17 = arith.maximumf %max3A_15, %max3A_16 : vector<16x256x256xf32>
    %min3A = vector.broadcast %slice3A_5 : vector<16x256x1xf32> to vector<16x256x256xf32>
    %min3A_18 = vector.broadcast %scan3A_11#2 : vector<16x1x256xf32> to vector<16x256x256xf32>
    %min3A_19 = arith.minimumf %min3A, %min3A_18 : vector<16x256x256xf32>
    %min3A_20 = vector.broadcast %slice3A_6 : vector<16x256x1xf32> to vector<16x256x256xf32>
    %min3A_21 = vector.broadcast %scan3A_11#3 : vector<16x1x256xf32> to vector<16x256x256xf32>
    %min3A_22 = arith.minimumf %min3A_20, %min3A_21 : vector<16x256x256xf32>
    %sub3A = arith.subf %min3A_19, %max3A_14 : vector<16x256x256xf32>
    %jit3A = arith.constant 0.000000e+00 : f32
    %max3A_23 = vector.broadcast %jit3A : f32 to vector<16x256x256xf32>
    %max3A_24 = arith.maximumf %max3A_23, %sub3A : vector<16x256x256xf32>
    %sub3A_25 = arith.subf %min3A_22, %max3A_17 : vector<16x256x256xf32>
    %jit3A_26 = arith.constant 0.000000e+00 : f32
    %max3A_27 = vector.broadcast %jit3A_26 : f32 to vector<16x256x256xf32>
    %max3A_28 = arith.maximumf %max3A_27, %sub3A_25 : vector<16x256x256xf32>
    %mul3A = arith.mulf %max3A_24, %max3A_28 : vector<16x256x256xf32>
    %sub3A_29 = arith.subf %slice3A_5, %slice3A_3 : vector<16x256x1xf32>
    %jit3A_30 = arith.constant 0.000000e+00 : f32
    %max3A_31 = vector.broadcast %jit3A_30 : f32 to vector<16x256x1xf32>
    %max3A_32 = arith.maximumf %max3A_31, %sub3A_29 : vector<16x256x1xf32>
    %sub3A_33 = arith.subf %slice3A_6, %slice3A_4 : vector<16x256x1xf32>
    %jit3A_34 = arith.constant 0.000000e+00 : f32
    %max3A_35 = vector.broadcast %jit3A_34 : f32 to vector<16x256x1xf32>
    %max3A_36 = arith.maximumf %max3A_35, %sub3A_33 : vector<16x256x1xf32>
    %mul3A_37 = arith.mulf %max3A_32, %max3A_36 : vector<16x256x1xf32>
    %sub3A_38 = arith.subf %scan3A_11#2, %scan3A_11#0 : vector<16x1x256xf32>
    %jit3A_39 = arith.constant 0.000000e+00 : f32
    %max3A_40 = vector.broadcast %jit3A_39 : f32 to vector<16x1x256xf32>
    %max3A_41 = arith.maximumf %max3A_40, %sub3A_38 : vector<16x1x256xf32>
    %sub3A_42 = arith.subf %scan3A_11#3, %scan3A_11#1 : vector<16x1x256xf32>
    %jit3A_43 = arith.constant 0.000000e+00 : f32
    %max3A_44 = vector.broadcast %jit3A_43 : f32 to vector<16x1x256xf32>
    %max3A_45 = arith.maximumf %max3A_44, %sub3A_42 : vector<16x1x256xf32>
    %mul3A_46 = arith.mulf %max3A_41, %max3A_45 : vector<16x1x256xf32>
    %add3A = vector.broadcast %mul3A_37 : vector<16x256x1xf32> to vector<16x256x256xf32>
    %add3A_47 = vector.broadcast %mul3A_46 : vector<16x1x256xf32> to vector<16x256x256xf32>
    %add3A_48 = arith.addf %add3A, %add3A_47 : vector<16x256x256xf32>
    %sub3A_49 = arith.subf %add3A_48, %mul3A : vector<16x256x256xf32>
    %max3A_50 = arith.constant 9.99999971E-10 : f32
    %max3A_51 = vector.broadcast %max3A_50 : f32 to vector<16x256x256xf32>
    %max3A_52 = arith.maximumf %sub3A_49, %max3A_51 : vector<16x256x256xf32>
    %div3A = arith.divf %mul3A, %max3A_52 : vector<16x256x256xf32>
    %eq3A = vector.broadcast %slice3A : vector<16x256x1xf32> to vector<16x256x256xf32>
    %eq3A_53 = vector.broadcast %scan3A_11#4 : vector<16x1x256xf32> to vector<16x256x256xf32>
    %eq3A_54 = arith.cmpf oeq, %eq3A, %eq3A_53 : vector<16x256x256xf32>
    %gt3A = arith.constant 4.500000e-01 : f32
    %gt3A_55 = vector.broadcast %gt3A : f32 to vector<16x256x256xf32>
    %gt3A_56 = arith.cmpf ogt, %div3A, %gt3A_55 : vector<16x256x256xf32>
    %and3A = arith.andi %gt3A_56, %eq3A_54 : vector<16x256x256xi1>
    %jit3A_57 = arith.constant 1.000000e+00 : f32
    %jit3A_58 = arith.constant 0.000000e+00 : f32
    %broadcast_in_dim3A_59 = vector.broadcast %jit3A_57 : f32 to vector<16x256x256xf32>
    %broadcast_in_dim3A_60 = vector.broadcast %jit3A_58 : f32 to vector<16x256x256xf32>
    %select_n3A = arith.select %and3A, %broadcast_in_dim3A_59, %broadcast_in_dim3A_60 : vector<16x256x256xi1>, vector<16x256x256xf32>
    %swap3A = arith.constant 0 : index
    %swap3A_61 = arith.constant 0 : index
    %swap3A_62 = arith.constant 0 : index
    %swap3A_63 = vector.load %arg6[%swap3A, %swap3A_61, %swap3A_62] : memref<16x256x256xf32, #tpu.memory_space<vmem>>, vector<16x256x256xf32>
    tpu.vector_store %arg6[%swap3A, %swap3A_61, %swap3A_62], %select_n3A {strides = array<i32>} : memref<16x256x256xf32, #tpu.memory_space<vmem>>, vector<16x256x256xf32>,
    %get3A_64 = arith.constant 0 : index
    %get3A_65 = arith.constant 0 : index
    %get3A_66 = arith.constant 0 : index
    %get3A_67 = vector.load %arg1[%get3A_64, %get3A_65, %get3A_66] : memref<16x1x256xf32, #tpu.memory_space<vmem>>, vector<16x1x256xf32>
    %gt3A_68 = arith.constant 0.00999999977 : f32
    %gt3A_69 = vector.broadcast %gt3A_68 : f32 to vector<16x1x256xf32>
    %gt3A_70 = arith.cmpf ogt, %get3A_67, %gt3A_69 : vector<16x1x256xf32>
    %jit3A_71 = arith.constant 1.000000e+00 : f32
    %jit3A_72 = arith.constant 0.000000e+00 : f32
    %broadcast_in_dim3A_73 = vector.broadcast %jit3A_71 : f32 to vector<16x1x256xf32>
    %broadcast_in_dim3A_74 = vector.broadcast %jit3A_72 : f32 to vector<16x1x256xf32>
    %select_n3A_75 = arith.select %gt3A_70, %broadcast_in_dim3A_73, %broadcast_in_dim3A_74 : vector<16x1x256xi1>, vector<16x1x256xf32>
    %scan3A_76 = arith.constant 0 : i32
    %scan3A_77 = arith.constant 200 : i32
    %scan3A_78 = arith.addi %scan3A_76, %scan3A_77 : i32
    %scan3A_79 = arith.constant 1 : i32
    %scan3A_80 = scf.for %scan3A_105 = %scan3A_76 to %scan3A_78 step %scan3A_79 iter_args(%scan3A_106 = %select_n3A_75) -> (vector<16x1x256xf32>)  : i32 {
      %get3A_107 = arith.constant 0 : index
      %get3A_108 = arith.index_cast %scan3A_105 : i32 to index
      %get3A_109 = arith.constant 0 : index
      %get3A_110 = vector.load %arg6[%get3A_107, %get3A_108, %get3A_109] : memref<16x256x256xf32, #tpu.memory_space<vmem>>, vector<16x1x256xf32>
      %mul3A_111 = arith.mulf %get3A_110, %scan3A_106 : vector<16x1x256xf32>
      %lt3A = vector.broadcast %scan3A_105 : i32 to vector<16x1x256xi32>
      %lt3A_112 = arith.cmpi slt, %iota3A, %lt3A : vector<16x1x256xi32>
      %jit3A_113 = arith.constant 1.000000e+00 : f32
      %jit3A_114 = arith.constant 0.000000e+00 : f32
      %broadcast_in_dim3A_115 = vector.broadcast %jit3A_113 : f32 to vector<16x1x256xf32>
      %broadcast_in_dim3A_116 = vector.broadcast %jit3A_114 : f32 to vector<16x1x256xf32>
      %select_n3A_117 = arith.select %lt3A_112, %broadcast_in_dim3A_115, %broadcast_in_dim3A_116 : vector<16x1x256xi1>, vector<16x1x256xf32>
      %mul3A_118 = arith.mulf %mul3A_111, %select_n3A_117 : vector<16x1x256xf32>
      %reduce_max3A = arith.constant dense<0xFF800000> : vector<16x1xf32>
      %reduce_max3A_119 = vector.multi_reduction <maximumf>, %mul3A_118, %reduce_max3A [2] : vector<16x1x256xf32> to vector<16x1xf32>
      %broadcast_in_dim3A_120 = vector.shape_cast %reduce_max3A_119 : vector<16x1xf32> to vector<16x1x1xf32>
      %eq3A_121 = vector.broadcast %scan3A_105 : i32 to vector<16x1x256xi32>
      %eq3A_122 = arith.cmpi eq, %iota3A, %eq3A_121 : vector<16x1x256xi32>
      %broadcast_in_dim3A_123 = vector.shape_cast %broadcast_in_dim3A_120 : vector<16x1x1xf32> to vector<16x1x1xf32>
      %broadcast_in_dim3A_124 = vector.broadcast %broadcast_in_dim3A_123 : vector<16x1x1xf32> to vector<16x1x256xf32>
      %sub3A_125 = arith.constant 1.000000e+00 : f32
      %sub3A_126 = vector.broadcast %sub3A_125 : f32 to vector<16x1x256xf32>
      %sub3A_127 = arith.subf %sub3A_126, %broadcast_in_dim3A_124 : vector<16x1x256xf32>
      %mul3A_128 = arith.mulf %scan3A_106, %sub3A_127 : vector<16x1x256xf32>
      %select_n3A_129 = arith.select %eq3A_122, %mul3A_128, %scan3A_106 : vector<16x1x256xi1>, vector<16x1x256xf32>
      scf.yield %select_n3A_129 : vector<16x1x256xf32>
    }
    %scan3A_81 = arith.constant 200 : i32
    %mul3A_82 = arith.mulf %get3A_67, %scan3A_80 : vector<16x1x256xf32>
    %slice3A_83 = vector.extract_strided_slice %mul3A_82 {offsets = [0, 0, 0], sizes = [16, 1, 200], strides = [1, 1, 1]} : vector<16x1x256xf32> to vector<16x1x200xf32>
    %swap3A_84 = arith.constant 0 : index
    %swap3A_85 = arith.constant 0 : index
    %swap3A_86 = arith.constant 0 : index
    %swap3A_87 = vector.load %arg3[%swap3A_84, %swap3A_85, %swap3A_86] : memref<16x1x200xf32, #tpu.memory_space<vmem>>, vector<16x1x200xf32>
    tpu.vector_store %arg3[%swap3A_84, %swap3A_85, %swap3A_86], %slice3A_83 {strides = array<i32>} : memref<16x1x200xf32, #tpu.memory_space<vmem>>, vector<16x1x200xf32>,
    %mul3A_88 = arith.mulf %scan3A_11#4, %scan3A_80 : vector<16x1x256xf32>
    %slice3A_89 = vector.extract_strided_slice %mul3A_88 {offsets = [0, 0, 0], sizes = [16, 1, 200], strides = [1, 1, 1]} : vector<16x1x256xf32> to vector<16x1x200xf32>
    %convert_element_type3A = arith.fptosi %slice3A_89 : vector<16x1x200xf32> to vector<16x1x200xi32>
    %swap3A_90 = arith.constant 0 : index
    %swap3A_91 = arith.constant 0 : index
    %swap3A_92 = arith.constant 0 : index
    %swap3A_93 = vector.load %arg4[%swap3A_90, %swap3A_91, %swap3A_92] : memref<16x1x200xi32, #tpu.memory_space<vmem>>, vector<16x1x200xi32>
    tpu.vector_store %arg4[%swap3A_90, %swap3A_91, %swap3A_92], %convert_element_type3A {strides = array<i32>} : memref<16x1x200xi32, #tpu.memory_space<vmem>>, vector<16x1x200xi32>,
    %slice3A_94 = vector.extract_strided_slice %scan3A_80 {offsets = [0, 0, 0], sizes = [16, 1, 200], strides = [1, 1, 1]} : vector<16x1x256xf32> to vector<16x1x200xf32>
    %convert_element_type3A_95 = arith.fptosi %slice3A_94 : vector<16x1x200xf32> to vector<16x1x200xi32>
    %swap3A_96 = arith.constant 0 : index
    %swap3A_97 = arith.constant 0 : index
    %swap3A_98 = arith.constant 0 : index
    %swap3A_99 = vector.load %arg5[%swap3A_96, %swap3A_97, %swap3A_98] : memref<16x1x200xi32, #tpu.memory_space<vmem>>, vector<16x1x200xi32>
    tpu.vector_store %arg5[%swap3A_96, %swap3A_97, %swap3A_98], %convert_element_type3A_95 {strides = array<i32>} : memref<16x1x200xi32, #tpu.memory_space<vmem>>, vector<16x1x200xi32>,
    %scan3A_100 = arith.constant 0 : i32
    %scan3A_101 = arith.constant 200 : i32
    %scan3A_102 = arith.addi %scan3A_100, %scan3A_101 : i32
    %scan3A_103 = arith.constant 1 : i32
    scf.for %scan3A_105 = %scan3A_100 to %scan3A_102 step %scan3A_103  : i32 {
      %eq3A_106 = vector.broadcast %scan3A_105 : i32 to vector<16x1x256xi32>
      %eq3A_107 = arith.cmpi eq, %iota3A, %eq3A_106 : vector<16x1x256xi32>
      %jit3A_108 = arith.constant 0.000000e+00 : f32
      %broadcast_in_dim3A_109 = vector.broadcast %jit3A_108 : f32 to vector<16x1x256xf32>
      %select_n3A_110 = arith.select %eq3A_107, %scan3A_80, %broadcast_in_dim3A_109 : vector<16x1x256xi1>, vector<16x1x256xf32>
      %reduce_max3A = arith.constant dense<0xFF800000> : vector<16x1xf32>
      %reduce_max3A_111 = vector.multi_reduction <maximumf>, %select_n3A_110, %reduce_max3A [2] : vector<16x1x256xf32> to vector<16x1xf32>
      %broadcast_in_dim3A_112 = vector.shape_cast %reduce_max3A_111 : vector<16x1xf32> to vector<16x1x1xf32>
      %get3A_113 = arith.constant 0 : index
      %get3A_114 = arith.index_cast %scan3A_105 : i32 to index
      %get3A_115 = arith.constant 2 : index
      %get3A_116 = vector.load %arg0[%get3A_113, %get3A_114, %get3A_115] : memref<16x256x8xf32, #tpu.memory_space<vmem>>, vector<16x1x4xf32>
      %broadcast_in_dim3A_117 = vector.shape_cast %broadcast_in_dim3A_112 : vector<16x1x1xf32> to vector<16x1x1xf32>
      %broadcast_in_dim3A_118 = vector.broadcast %broadcast_in_dim3A_117 : vector<16x1x1xf32> to vector<16x1x4xf32>
      %mul3A_119 = arith.mulf %get3A_116, %broadcast_in_dim3A_118 : vector<16x1x4xf32>
      %swap3A_120 = arith.constant 0 : index
      %swap3A_121 = arith.index_cast %scan3A_105 : i32 to index
      %swap3A_122 = arith.constant 0 : index
      %swap3A_123 = vector.load %arg2[%swap3A_120, %swap3A_121, %swap3A_122] : memref<16x200x4xf32, #tpu.memory_space<vmem>>, vector<16x1x4xf32>
      tpu.vector_store %arg2[%swap3A_120, %swap3A_121, %swap3A_122], %mul3A_119 {strides = array<i32>} : memref<16x200x4xf32, #tpu.memory_space<vmem>>, vector<16x1x4xf32>,
    }
    %scan3A_104 = arith.constant 200 : i32
    return
  }
}

</mosaic_0001>

<sc_bundles>
// kernel: kernel.11.cloned.1.call-start
scs
__scs_entry_jumppad:
0x0: {  	(pc) =	sbr.rel $0x88, $3  }
0x1: {  	(tag) =	ssettag $0x0;
	lr =	simm.s32 $0x1  }
0x2: {  	[smem:$0x3F9E] =	sst lr;
	_ =	strace $0xD0000000  }
0x3: {  	_ = 	snop  }
0x4: {  	_ = 	snop  }
0x5: {  	_ = 	snop  }
0x6: {  	_ = 	snop  }
0x7: {  	_ = 	snop  }
__scs_overlays_trampoline_lowered:
0x8: {  	[smem:$0x3FAD] =	sst s0  }
0x9: {  	[smem:$0x3FAE] =	sst s1  }
0xa: {  	[smem:$0x3FAF] =	sst s2  }
0xb: {  	[smem:$0x3FB0] =	sst s3  }
0xc: {  	[smem:$0x3FB1] =	sst s4  }
0xd: {  	[smem:$0x3FB2] =	sst s5  }
0xe: {  	[smem:$0x3FB3] =	sst s6  }
0xf: {  	[smem:$0x3FB4] =	sst s7  }
0x10: {  	[smem:$0x3FB5] =	sst s8  }
0x11: {  	[smem:$0x3FB6] =	sst s9;
	s0 =	simm.s32 @!p0 $0x0  }
0x12: {  	s1 =	sld [smem:$0x3F9C];
	s0 =	simm.s32 @p0 $0x1  }
0x13: {  	[smem:$0x3FB7] =	sst s0;
	s0 =	simm.s32 @!p1 $0x0  }
0x14: {  	s2 =	sld [smem:$0x3F9B];
	s0 =	simm.s32 @p1 $0x1  }
0x15: {  	[smem:$0x3FB8] =	sst s0;
	s0 =	simm.s32 @!p2 $0x0  }
0x16: {  	s3 =	sld [smem:$0x3FDB];
	s0 =	simm.s32 @p2 $0x1  }
0x17: {  	s4 =	simm.s32 $0x1BF5;
	[smem:$0x3FBA] =	sst s0  }
0x18: {  	s0 =	sld [smem:$0x3F9D];
	_ =	swait.ge [sflag:s4], $0x0  }
0x19: {  	s7 =	sld [smem:$0x3F9E]  }
0x1a: {  	s8 =	sadd.s32 $0xFFFFE003, lr  }
0x1b: {  	s9 =	sadd.s32 $0xFFFFFEF7, lr;
	s5 =	simm.s32 $0xFFFFFFFF;
	p2 =	slt.u32 s8, $0xFFFFF086  }
0x1c: {  	p1 =	slt.u32 s9, $0xF7A;
	s5 =	simm.s32 @!p2 $0x0  }
0x1d: {  	s5 =	simm.s32 @p1 $0x1;
	p0 =	seq.s32 s7, s2  }
0x1e: {  	s7 =	smul.u32 @!p0 $0xF7A, s2;
	p2 =	seq.s32 @!p0 s5, $0x0  }
0x1f: {  	s9 =	smul.u32 $0xF7A, s1;
	s8 =	simm.s32 @!p0 $0x1BF5;
	p2 =	por !p2, p0  }
0x20: {  	[sflag:s8] =	ssyncset.s32 @!p0 $0xFFFFF086;
	s6 =	sadd.s32 @!p0 s3, s7;
	s7 =	simm.s32 @!p0 $0x108  }
0x21: {  	s3 =	sadd.s32 s3, s9;
	s6 =	sadd.s32 @!p0 $0x88, s6;
	s7 =	simm.s32 @p2 $0x1082  }
0x22: {  	[simem:s7], [sflag:s8] =	dma.local @!p0 [hbm:s6], $0xF7A  }
0x23: {  	s9 =	sor.u32 $0xD0000000, s2;
	s6 =	simm.s32 $0x108;
	_ =	swait.ge @!p0 [sflag:s8], $0x0  }
0x24: {  	s3 =	sadd.s32 $0x88, s3;
	s6 =	simm.s32 @!p1 $0x1082;
	[sflag:s4] =	ssyncset.s32 $0xFFFFF086  }
0x25: {  	[simem:s6], [sflag:s4] =	dma.local [hbm:s3], $0xF7A  }
0x26: {  	[smem:$0x3F9E] =	sst s1;
	(tag) =	ssettag s2;
	_ =	strace s9  }
0x27: {  	s1 =	sld [smem:$0x3FAE]  }
0x28: {  	s2 =	sld [smem:$0x3FAF]  }
0x29: {  	s4 =	sld [smem:$0x3FB1]  }
0x2a: {  	p0 =	seq.s32 s5, $0x0;
	s5 =	sld [smem:$0x3FB2]  }
0x2b: {  	s6 =	sld [smem:$0x3FB3]  }
0x2c: {  	s7 =	sld [smem:$0x3FB4]  }
0x2d: {  	s3 =	simm.s32 $0x108;
	s8 =	sld [smem:$0x3FB5]  }
0x2e: {  	s3 =	simm.s32 @!p0 $0x1082;
	s9 =	sld [smem:$0x3FB6]  }
0x2f: {  	lr =	sadd.s32 s0, s3;
	s0 =	sld [smem:$0x3FAD]  }
0x30: {  	s3 =	sld [smem:$0x3FB0]  }
0x31: {  	[smem:$0x3FB9] =	sst s10  }
0x32: {  	s10 =	sld [smem:$0x3FB7];
	_ =	sdelay $0x3  }
0x33: {  	p0 =	seq.s32 s10, $0x1;
	s10 =	sld [smem:$0x3FB9];
	_ =	sdelay $0x3  }
0x34: {  	[smem:$0x3FB9] =	sst s10  }
0x35: {  	s10 =	sld [smem:$0x3FB8];
	_ =	sdelay $0x3  }
0x36: {  	p1 =	seq.s32 s10, $0x1;
	s10 =	sld [smem:$0x3FB9];
	_ =	sdelay $0x3  }
0x37: {  	[smem:$0x3FB9] =	sst s10  }
0x38: {  	s10 =	sld [smem:$0x3FBA]  }
0x39: {  	_ = 	snop;
	(pc) =	sbr.ind lr, $3  }
0x3a: {  	_ = 	snop  }
0x3b: {  	_ = 	snop  }
0x3c: {  	p2 =	seq.s32 s10, $0x1;
	s10 =	sld [smem:$0x3FB9]  }
0x3d: {  	_ =	shalt  }
0x3e: {  	_ =	shalt  }
0x3f: {  	_ =	shalt  }
0x40: {  	_ =	shalt  }
0x41: {  	_ =	shalt  }
0x42: {  	_ =	shalt  }
0x43: {  	_ =	shalt  }
0x44: {  	_ =	shalt  }
0x45: {  	_ =	shalt  }
0x46: {  	_ =	shalt  }
0x47: {  	_ =	shalt  }
0x48: {  	_ =	shalt  }
0x49: {  	_ =	shalt  }
0x4a: {  	_ =	shalt  }
0x4b: {  	_ =	shalt  }
0x4c: {  	_ =	shalt  }
0x4d: {  	_ =	shalt  }
0x4e: {  	_ =	shalt  }
0x4f: {  	_ =	shalt  }
0x50: {  	_ =	shalt  }
0x51: {  	_ =	shalt  }
0x52: {  	_ =	shalt  }
0x53: {  	_ =	shalt  }
0x54: {  	_ =	shalt  }
0x55: {  	_ =	shalt  }
0x56: {  	_ =	shalt  }
0x57: {  	_ =	shalt  }
0x58: {  	_ =	shalt  }
0x59: {  	_ =	shalt  }
0x5a: {  	_ =	shalt  }
0x5b: {  	_ =	shalt  }
0x5c: {  	_ =	shalt  }
0x5d: {  	_ =	shalt  }
0x5e: {  	_ =	shalt  }
0x5f: {  	_ =	shalt  }
0x60: {  	_ =	shalt  }
0x61: {  	_ =	shalt  }
0x62: {  	_ =	shalt  }
0x63: {  	_ =	shalt  }
0x64: {  	_ =	shalt  }
0x65: {  	_ =	shalt  }
0x66: {  	_ =	shalt  }
0x67: {  	_ =	shalt  }
0x68: {  	_ =	shalt  }
0x69: {  	_ =	shalt  }
0x6a: {  	_ =	shalt  }
0x6b: {  	_ =	shalt  }
0x6c: {  	_ =	shalt  }
0x6d: {  	_ =	shalt  }
0x6e: {  	_ =	shalt  }
0x6f: {  	_ =	shalt  }
0x70: {  	_ =	shalt  }
0x71: {  	_ =	shalt  }
0x72: {  	_ =	shalt  }
0x73: {  	_ =	shalt  }
0x74: {  	_ =	shalt  }
0x75: {  	_ =	shalt  }
0x76: {  	_ =	shalt  }
0x77: {  	_ =	shalt  }
0x78: {  	_ =	shalt  }
0x79: {  	_ =	shalt  }
0x7a: {  	_ =	shalt  }
0x7b: {  	_ =	shalt  }
0x7c: {  	_ =	shalt  }
0x7d: {  	_ =	shalt  }
0x7e: {  	_ =	shalt  }
0x7f: {  	_ =	shalt  }
0x80: {  	_ =	shalt  }
0x81: {  	_ =	shalt  }
0x82: {  	_ =	shalt  }
0x83: {  	_ =	shalt  }
0x84: {  	_ =	shalt  }
0x85: {  	_ =	shalt  }
0x86: {  	_ =	shalt  }
0x87: {  	_ =	shalt  }
.Lfunc_end0:
.L_simem_size_0:
called_computation.1_lowered:
.L_overlay_start_0:
0x88: {  	s2 =	sld [smem:$0x3FD9]  }
0x89: {  	s3 =	sld [smem:$0x3FFE];
	_ =	sdelay $0x1  }
0x8a: {  	s1 =	srdreg.scid  }
0x8b: {  	s0 =	sand.u32 $0x1, s1  }
0x8c: {  	s14 =	sshll.u32 s0, $0xA;
	s2 =	sadd.s32 s3, s2  }
0x8d: {  	s2 =	sadd.s32 s2, s14  }
0x8e: {  	[smem:$0x3FC5] =	sst s2  }
0x8f: {  	_ = 	snop  }
0x90: {  	s2 =	sld [smem:$0x3FD0];
	_ =	sdelay $0x2  }
0x91: {  	s15 =	simm.s32 $0xA;
	s4 =	simm.s32 $0x10  }
0x92: {  	[smem:s4], [sflag:s15] =	dma.local [hbm:s2], $0x1  }
0x93: {  	_ =	swait.eq [sflag:s15], $0x1  }
0x94: {  	[sflag:s15] =	ssyncset.done $0x0  }
0x95: {  	[sflag:s15] =	ssyncadd.s32 $0xFFFFFFFF  }
0x96: {  	s16 =	sld [smem:$0x12];
	(tm) =	ssettm $0x1  }
0x97: {  	s17 =	sld [smem:$0x3FFB];
	_ =	sdelay $0x3  }
0x98: {  	_ =	strace s17  }
0x99: {  	s3 =	sld [smem:$0x3FFC];
	_ =	sdelay $0x3  }
0x9a: {  	_ =	strace s3  }
0x9b: {  	s3 =	sld [smem:$0x3FFD];
	_ =	sdelay $0x3  }
0x9c: {  	_ =	strace s3  }
0x9d: {  	_ =	strace $0x8FFFFFFF  }
0x9e: {  	s18 =	sld [smem:$0x3FDB];
	_ =	sdelay $0x1  }
0x9f: {  	s19 =	simm.s32 $_scs_section_size  }
0xa0: {  	s5 =	simm.s32 $_size__tile_overlayer_lowered;
	s6 =	simm.s32 $_tile_overlayer_lowered  }
0xa1: {  	s22 =	simm.s32 $0x1BFF;
	s21 =	sshll.u32 s6, $0x1;
	s3 =	sadd.s32 s19, s18  }
0xa2: {  	s7 =	simm.s32 $0x0;
	s20 =	sshll.u32 s5, $0x1;
	s5 =	sadd.s32 s21, s3  }
0xa3: {  	[timem:s7], [sflag:s22] =	dma.local [hbm:s5], s20  }
0xa4: {  	_ =	swait.ge [sflag:s22], s20  }
0xa5: {  	s4 =	ssub.s32 $0x0, s20;
	[sflag:s22] =	ssyncset.done $0x0  }
0xa6: {  	[sflag:s22] =	ssyncadd.s32 s4;
	_ =	sdelay $0x1  }
0xa7: {  	s23 =	simm.s32 $0x1B8B  }
0xa8: {  	_ =	swait.ge [sflag:s23], $0x1  }
0xa9: {  	[sflag:s23] =	ssyncset.done $0x0  }
0xaa: {  	s25 =	simm.s32 $0x1B8E;
	s24 =	sld [smem:$0x3FFE];
	[sflag:s23] =	ssyncadd.s32 $0xFFFFFFFF  }
0xab: {  	s26 =	simm.s32 $execute0_lowered;
	[smem:$0x3FD2] =	sst s25  }
0xac: {  	s5 =	sshll.u32 s26, $0x1;
	_ =	strace $0x80000049;
	[dreg:$0x1] =	wrdreg $0xFFFFFFFF  }
0xad: {  	s28 =	simm.s32 $_size_execute0_lowered;
	s3 =	sadd.s32 s3, s5;
	[dreg:$0x0] =	wrdreg $0x0  }
0xae: {  	s5 =	sshll.u32 s28, $0x1;
	[dreg:$0x2] =	wrdreg s3  }
0xaf: {  	[dreg:$0x3] =	wrdreg s5  }
0xb0: {  	[dreg:$0x4] =	wrdreg $0xC0  }
0xb1: {  	_ =	task [dreg:s7], $0x5FFFF  }
0xb2: {  	[dreg:$0x1] =	wrdreg $0xFFFFFFFF  }
0xb3: {  	[dreg:$0x0] =	wrdreg $0x60  }
0xb4: {  	[dreg:$0x2] =	wrdreg s24  }
0xb5: {  	[dreg:$0x3] =	wrdreg s16  }
0xb6: {  	[dreg:$0x4] =	wrdreg $0x9  }
0xb7: {  	_ =	task.clear_ibuf [dreg:s7], $0x5FFFF;
	_ =	strace $0x90000049  }
0xb8: {  	s29 =	simm.s32 $0x9;
	_ =	strace $0x8000004B  }
0xb9: {  	_ =	swait.ge [sflag:s29], $0x1  }
0xba: {  	[sflag:s29] =	ssyncadd.s32 $0xFFFFFFFF  }
0xbb: {  	_ =	strace $0x9000004B  }
0xbc: {  	_ =	sfence  }
0xbd: {  	s30 =	sld [smem:$0x0];
	_ =	sdelay $0x2  }
0xbe: {  	s31 =	sshll.u32 s1, $0xD;
	s1 =	sshrl.u32 s1, $0x2  }
0xbf: {  	s3 =	sand.u32 $0x4000, s31;
	s1 =	sadd.s32 s1, s30  }
0xc0: {  	s0 =	sor.u32 s3, s0;
	s1 =	sshll.u32 s1, $0x11  }
0xc1: {  	s0 =	sor.u32 s1, s0  }
0xc2: {  	s0 =	sadd.s32 $0x8F2B, s0  }
0xc3: {  	[sflag:s0] =	ssyncadd.remote.s32 $0x1  }
0xc4: {  	_ =	sfence.sel $0xFFFF  }
0xc5: {  	[dreg:$0x0] =	wrdreg $0xFFFFFFFF;
	(pc) =	sbr.abs _section_cstart, $3  }
0xc6: {  	[dreg:$0x1] =	wrdreg $0xFFFFFFFF  }
0xc7: {  	_ =	task.clear_ibuf [dreg:s7], $0x2FFFF;
	_ =	strace $0x9FFFFFFF  }
0xc8: {  	(tm) =	ssettm $0x7FFFFFFF  }
0xc9: {  	_ =	shalt  }
tec
execute0_lowered:
.L_overlay_start_1:
0x0: {  	(tag) =	ssettag $0x1  }
0x1: {  	s1 =	srdreg.scid;
	s8 =	rddreg [dreg:$0x0]  }
0x2: {  	s0 =	stileid.u32;
	s3 =	rddreg [dreg:$0x1];
	s6 =	sand.u32 $0x1, s1  }
0x3: {  	s2 =	simm.s32 $0x0;
	s4 =	sshll.u32 s0, $0x8;
	s5 =	sshll.u32 s6, $0x7  }
0x4: {  	s7 =	simm.s32 $0x1;
	[smem:$0x7FF] =	sst s2;
	s9 =	sor.u32 s5, s4  }
0x5: {  	s1 =	rddreg [dreg:$0x2];
	_ =	strace $0x8000004A;
	s4 =	sshrl.u32 s9, $0x3  }
0x6: {  	s10 =	ssub.s32 $0x2, s6;
	s4 =	sadd.s32 s3, s4;
	s3 =	simm.s32 $0x2  }
0x7: {  	[tilespmem:s2], [sflag:$0x2] =	stream.linear.gather [hbm4b:s4+s2], $0x80, $0x38;
	[tilespmem:$0x480] =	vst v63  }
0x8: {  	s6 =	simm.s32 $0x80;
	s11 =	sshrl.u32 s10, $0x1;
	_ =	swait.ge [sflag:s3], $0x80  }
0x9: {  	s5 =	sadd.s32 $0xBC00, s8;
	s31 =	ssub.s32 s10, s11;
	[sflag:s3] =	ssyncset.done $0x0  }
0xa: {  	s8 =	sadd.s32 s9, s8;
	s9 =	smax.u32 s31, $0x1;
	[sflag:s3] =	ssyncadd.s32 $0xFFFFFF80  }
0xb: {  	[tilespmem:s6], [sflag:$0x1] =	stream.indirect.gather [hbm4b:s5+s6], $0x8, s2, s6, $0xb8;
	[tilespmem:$0x480] =	vst v63  }
0xc: {  	p0 =	sne.s32 s9, $0x1;
	_ =	swait.ge [sflag:s7], $0x400  }
.Ltmp0:
0xd: {  	[sflag:s7] =	ssyncset.done $0x0;
	(pc) =	sbr.rel @!p0 .LBB2_2-.Ltmp0, $4  }
0xe: {  	s8 =	sadd.s32 $0x1600, s8;
	[sflag:s7] =	ssyncadd.s32 $0xFFFFFC00  }
0xf: {  	[hbm4b:s8+s2] =	stream.linear.scatter [tilespmem:s6], [sflag:$0x2], $0x400, $0x38;
	[tilespmem:$0x480] =	vst v63  }
0x10: {  	_ =	swait.ge [sflag:s3], $0x400  }
0x11: {  	s9 =	sadd.s32 $0xFFFFFFFF, s9;
	[sflag:s3] =	ssyncset.done $0x0  }
.LBB2_1:
0x12: {  	p0 =	sne.s32 s9, $0x1;
	s9 =	sadd.s32 $0xFFFFFFFF, s9;
	[sflag:s3] =	ssyncadd.s32 $0xFFFFFC00  }
0x13: {  	[tilespmem:s2], [sflag:$0x2] =	stream.linear.gather [hbm4b:s4+s2], $0x80, $0x38;
	[tilespmem:$0x480] =	vst v63  }
0x14: {  	_ =	swait.ge [sflag:s3], $0x80  }
0x15: {  	[sflag:s3] =	ssyncset.done $0x0  }
0x16: {  	[sflag:s3] =	ssyncadd.s32 $0xFFFFFF80  }
0x17: {  	[tilespmem:s6], [sflag:$0x1] =	stream.indirect.gather [hbm4b:s5+s6], $0x8, s2, s6, $0xb8;
	[tilespmem:$0x480] =	vst v63  }
0x18: {  	_ =	swait.ge [sflag:s7], $0x400  }
.Ltmp1:
0x19: {  	[sflag:s7] =	ssyncset.done $0x0;
	(pc) =	sbr.rel @p0 .LBB2_1-.Ltmp1, $4  }
0x1a: {  	[sflag:s7] =	ssyncadd.s32 $0xFFFFFC00  }
0x1b: {  	[hbm4b:s8+s2] =	stream.linear.scatter [tilespmem:s6], [sflag:$0x2], $0x400, $0x38;
	[tilespmem:$0x480] =	vst v63  }
0x1c: {  	_ =	swait.ge [sflag:s3], $0x400  }
0x1d: {  	[sflag:s3] =	ssyncset.done $0x0  }
.LBB2_2:
0x1e: {  	[sflag:s3] =	ssyncadd.s32 $0xFFFFFC00  }
0x1f: {  	_ =	sfence.sel $0x180000  }
0x20: {  	[bflag:$0x0] =	sbarrier.arrive $0xFFFF  }
0x21: {  	p0 =	sne.s32 s0, $0x0;
	_ =	strace $0x9000004A  }
0x22: {  	s0 =	sadd.s32 @!p0 $0x100000, s1;
	[bflag:$0x2] =	sbarrier.arrive $0xFFFF  }
0x23: {  	[sflag:s0] =	ssyncadd.tile.s32 @!p0 $0x1;
	_ =	shalt  }
.Lfunc_end2:
_tile_overlayer_lowered:
.L_overlay_start_2:
0x24: {  	(tag) =	ssettag $0x2  }
0x25: {  	s0 =	rddreg [dreg:$0x0];
	s2 =	stileid.u32  }
0x26: {  	s1 =	rddreg [dreg:$0x1];
	p0 =	sne.s32 s2, $0x0  }
0x27: {  	s3 =	rddreg [dreg:$0x2];
	[bflag:$0x3] =	sbarrier.arrive $0xFFFF;
	s2 =	simm.s32 @!p0 $0x1C02  }
0x28: {  	[timem:s3], [sflag:s2] =	dma.local @!p0 [hbm:s0], s1  }
0x29: {  	s0 =	simm.s32 @!p0 $0x2  }
0x2a: {  	_ =	swait.ge @!p0 [sflag:s0], s1  }
0x2b: {  	s1 =	ssub.s32 @!p0 $0x0, s1;
	[sflag:s0] =	ssyncset.done @!p0 $0x0  }
0x2c: {  	[sflag:s0] =	ssyncadd.s32 @!p0 s1  }
0x2d: {  	[bflag:$0x3] =	sbarrier.arrive $0xFFFF  }
0x2e: {  	_ =	shalt  }

// kernel: kernel.8.cloned.1.call-start
scs
__scs_entry_jumppad:
0x0: {  	(pc) =	sbr.rel $0x88, $3  }
0x1: {  	(tag) =	ssettag $0x0;
	lr =	simm.s32 $0x1  }
0x2: {  	[smem:$0x3F9E] =	sst lr;
	_ =	strace $0xD0000000  }
0x3: {  	_ = 	snop  }
0x4: {  	_ = 	snop  }
0x5: {  	_ = 	snop  }
0x6: {  	_ = 	snop  }
0x7: {  	_ = 	snop  }
__scs_overlays_trampoline_lowered:
0x8: {  	[smem:$0x3FAD] =	sst s0  }
0x9: {  	[smem:$0x3FAE] =	sst s1  }
0xa: {  	[smem:$0x3FAF] =	sst s2  }
0xb: {  	[smem:$0x3FB0] =	sst s3  }
0xc: {  	[smem:$0x3FB1] =	sst s4  }
0xd: {  	[smem:$0x3FB2] =	sst s5  }
0xe: {  	[smem:$0x3FB3] =	sst s6  }
0xf: {  	[smem:$0x3FB4] =	sst s7  }
0x10: {  	[smem:$0x3FB5] =	sst s8  }
0x11: {  	[smem:$0x3FB6] =	sst s9;
	s0 =	simm.s32 @!p0 $0x0  }
0x12: {  	s1 =	sld [smem:$0x3F9C];
	s0 =	simm.s32 @p0 $0x1  }
0x13: {  	[smem:$0x3FB7] =	sst s0;
	s0 =	simm.s32 @!p1 $0x0  }
0x14: {  	s2 =	sld [smem:$0x3F9B];
	s0 =	simm.s32 @p1 $0x1  }
0x15: {  	[smem:$0x3FB8] =	sst s0;
	s0 =	simm.s32 @!p2 $0x0  }
0x16: {  	s3 =	sld [smem:$0x3FDB];
	s0 =	simm.s32 @p2 $0x1  }
0x17: {  	s4 =	simm.s32 $0x1BF5;
	[smem:$0x3FBA] =	sst s0  }
0x18: {  	s0 =	sld [smem:$0x3F9D];
	_ =	swait.ge [sflag:s4], $0x0  }
0x19: {  	s7 =	sld [smem:$0x3F9E]  }
0x1a: {  	s8 =	sadd.s32 $0xFFFFE003, lr  }
0x1b: {  	s9 =	sadd.s32 $0xFFFFFEF7, lr;
	s5 =	simm.s32 $0xFFFFFFFF;
	p2 =	slt.u32 s8, $0xFFFFF086  }
0x1c: {  	p1 =	slt.u32 s9, $0xF7A;
	s5 =	simm.s32 @!p2 $0x0  }
0x1d: {  	s5 =	simm.s32 @p1 $0x1;
	p0 =	seq.s32 s7, s2  }
0x1e: {  	s7 =	smul.u32 @!p0 $0xF7A, s2;
	p2 =	seq.s32 @!p0 s5, $0x0  }
0x1f: {  	s9 =	smul.u32 $0xF7A, s1;
	s8 =	simm.s32 @!p0 $0x1BF5;
	p2 =	por !p2, p0  }
0x20: {  	[sflag:s8] =	ssyncset.s32 @!p0 $0xFFFFF086;
	s6 =	sadd.s32 @!p0 s3, s7;
	s7 =	simm.s32 @!p0 $0x108  }
0x21: {  	s3 =	sadd.s32 s3, s9;
	s6 =	sadd.s32 @!p0 $0x88, s6;
	s7 =	simm.s32 @p2 $0x1082  }
0x22: {  	[simem:s7], [sflag:s8] =	dma.local @!p0 [hbm:s6], $0xF7A  }
0x23: {  	s9 =	sor.u32 $0xD0000000, s2;
	s6 =	simm.s32 $0x108;
	_ =	swait.ge @!p0 [sflag:s8], $0x0  }
0x24: {  	s3 =	sadd.s32 $0x88, s3;
	s6 =	simm.s32 @!p1 $0x1082;
	[sflag:s4] =	ssyncset.s32 $0xFFFFF086  }
0x25: {  	[simem:s6], [sflag:s4] =	dma.local [hbm:s3], $0xF7A  }
0x26: {  	[smem:$0x3F9E] =	sst s1;
	(tag) =	ssettag s2;
	_ =	strace s9  }
0x27: {  	s1 =	sld [smem:$0x3FAE]  }
0x28: {  	s2 =	sld [smem:$0x3FAF]  }
0x29: {  	s4 =	sld [smem:$0x3FB1]  }
0x2a: {  	p0 =	seq.s32 s5, $0x0;
	s5 =	sld [smem:$0x3FB2]  }
0x2b: {  	s6 =	sld [smem:$0x3FB3]  }
0x2c: {  	s7 =	sld [smem:$0x3FB4]  }
0x2d: {  	s3 =	simm.s32 $0x108;
	s8 =	sld [smem:$0x3FB5]  }
0x2e: {  	s3 =	simm.s32 @!p0 $0x1082;
	s9 =	sld [smem:$0x3FB6]  }
0x2f: {  	lr =	sadd.s32 s0, s3;
	s0 =	sld [smem:$0x3FAD]  }
0x30: {  	s3 =	sld [smem:$0x3FB0]  }
0x31: {  	[smem:$0x3FB9] =	sst s10  }
0x32: {  	s10 =	sld [smem:$0x3FB7];
	_ =	sdelay $0x3  }
0x33: {  	p0 =	seq.s32 s10, $0x1;
	s10 =	sld [smem:$0x3FB9];
	_ =	sdelay $0x3  }
0x34: {  	[smem:$0x3FB9] =	sst s10  }
0x35: {  	s10 =	sld [smem:$0x3FB8];
	_ =	sdelay $0x3  }
0x36: {  	p1 =	seq.s32 s10, $0x1;
	s10 =	sld [smem:$0x3FB9];
	_ =	sdelay $0x3  }
0x37: {  	[smem:$0x3FB9] =	sst s10  }
0x38: {  	s10 =	sld [smem:$0x3FBA]  }
0x39: {  	_ = 	snop;
	(pc) =	sbr.ind lr, $3  }
0x3a: {  	_ = 	snop  }
0x3b: {  	_ = 	snop  }
0x3c: {  	p2 =	seq.s32 s10, $0x1;
	s10 =	sld [smem:$0x3FB9]  }
0x3d: {  	_ =	shalt  }
0x3e: {  	_ =	shalt  }
0x3f: {  	_ =	shalt  }
0x40: {  	_ =	shalt  }
0x41: {  	_ =	shalt  }
0x42: {  	_ =	shalt  }
0x43: {  	_ =	shalt  }
0x44: {  	_ =	shalt  }
0x45: {  	_ =	shalt  }
0x46: {  	_ =	shalt  }
0x47: {  	_ =	shalt  }
0x48: {  	_ =	shalt  }
0x49: {  	_ =	shalt  }
0x4a: {  	_ =	shalt  }
0x4b: {  	_ =	shalt  }
0x4c: {  	_ =	shalt  }
0x4d: {  	_ =	shalt  }
0x4e: {  	_ =	shalt  }
0x4f: {  	_ =	shalt  }
0x50: {  	_ =	shalt  }
0x51: {  	_ =	shalt  }
0x52: {  	_ =	shalt  }
0x53: {  	_ =	shalt  }
0x54: {  	_ =	shalt  }
0x55: {  	_ =	shalt  }
0x56: {  	_ =	shalt  }
0x57: {  	_ =	shalt  }
0x58: {  	_ =	shalt  }
0x59: {  	_ =	shalt  }
0x5a: {  	_ =	shalt  }
0x5b: {  	_ =	shalt  }
0x5c: {  	_ =	shalt  }
0x5d: {  	_ =	shalt  }
0x5e: {  	_ =	shalt  }
0x5f: {  	_ =	shalt  }
0x60: {  	_ =	shalt  }
0x61: {  	_ =	shalt  }
0x62: {  	_ =	shalt  }
0x63: {  	_ =	shalt  }
0x64: {  	_ =	shalt  }
0x65: {  	_ =	shalt  }
0x66: {  	_ =	shalt  }
0x67: {  	_ =	shalt  }
0x68: {  	_ =	shalt  }
0x69: {  	_ =	shalt  }
0x6a: {  	_ =	shalt  }
0x6b: {  	_ =	shalt  }
0x6c: {  	_ =	shalt  }
0x6d: {  	_ =	shalt  }
0x6e: {  	_ =	shalt  }
0x6f: {  	_ =	shalt  }
0x70: {  	_ =	shalt  }
0x71: {  	_ =	shalt  }
0x72: {  	_ =	shalt  }
0x73: {  	_ =	shalt  }
0x74: {  	_ =	shalt  }
0x75: {  	_ =	shalt  }
0x76: {  	_ =	shalt  }
0x77: {  	_ =	shalt  }
0x78: {  	_ =	shalt  }
0x79: {  	_ =	shalt  }
0x7a: {  	_ =	shalt  }
0x7b: {  	_ =	shalt  }
0x7c: {  	_ =	shalt  }
0x7d: {  	_ =	shalt  }
0x7e: {  	_ =	shalt  }
0x7f: {  	_ =	shalt  }
0x80: {  	_ =	shalt  }
0x81: {  	_ =	shalt  }
0x82: {  	_ =	shalt  }
0x83: {  	_ =	shalt  }
0x84: {  	_ =	shalt  }
0x85: {  	_ =	shalt  }
0x86: {  	_ =	shalt  }
0x87: {  	_ =	shalt  }
.Lfunc_end0:
.L_simem_size_0:
called_computation_lowered:
.L_overlay_start_0:
0x88: {  	s2 =	sld [smem:$0x3FD9]  }
0x89: {  	s3 =	sld [smem:$0x3FFE];
	_ =	sdelay $0x1  }
0x8a: {  	s1 =	srdreg.scid  }
0x8b: {  	s0 =	sand.u32 $0x1, s1  }
0x8c: {  	s14 =	sshll.u32 s0, $0xA;
	s2 =	sadd.s32 s3, s2  }
0x8d: {  	s2 =	sadd.s32 s2, s14  }
0x8e: {  	[smem:$0x3FC5] =	sst s2  }
0x8f: {  	_ = 	snop  }
0x90: {  	s2 =	sld [smem:$0x3FD0];
	_ =	sdelay $0x2  }
0x91: {  	s15 =	simm.s32 $0xA;
	s4 =	simm.s32 $0x10  }
0x92: {  	[smem:s4], [sflag:s15] =	dma.local [hbm:s2], $0x1  }
0x93: {  	_ =	swait.eq [sflag:s15], $0x1  }
0x94: {  	[sflag:s15] =	ssyncset.done $0x0  }
0x95: {  	s16 =	sld [smem:$0x10];
	[sflag:s15] =	ssyncadd.s32 $0xFFFFFFFF  }
0x96: {  	s17 =	sld [smem:$0x12];
	(tm) =	ssettm $0x1  }
0x97: {  	s18 =	sld [smem:$0x3FFB];
	_ =	sdelay $0x3  }
0x98: {  	_ =	strace s18  }
0x99: {  	s4 =	sld [smem:$0x3FFC];
	_ =	sdelay $0x3  }
0x9a: {  	_ =	strace s4  }
0x9b: {  	s4 =	sld [smem:$0x3FFD];
	_ =	sdelay $0x3  }
0x9c: {  	_ =	strace s4  }
0x9d: {  	_ =	strace $0x8FFFFFFF  }
0x9e: {  	s19 =	sld [smem:$0x3FDB];
	_ =	sdelay $0x1  }
0x9f: {  	s5 =	simm.s32 $_scs_section_size  }
0xa0: {  	s6 =	simm.s32 $_size__tile_overlayer_lowered;
	s7 =	simm.s32 $_tile_overlayer_lowered  }
0xa1: {  	s22 =	simm.s32 $0x1BFF;
	s21 =	sshll.u32 s7, $0x1;
	s4 =	sadd.s32 s5, s19  }
0xa2: {  	s8 =	simm.s32 $0x0;
	s20 =	sshll.u32 s6, $0x1;
	s6 =	sadd.s32 s21, s4  }
0xa3: {  	[timem:s8], [sflag:s22] =	dma.local [hbm:s6], s20  }
0xa4: {  	_ =	swait.ge [sflag:s22], s20  }
0xa5: {  	s5 =	ssub.s32 $0x0, s20;
	[sflag:s22] =	ssyncset.done $0x0  }
0xa6: {  	[sflag:s22] =	ssyncadd.s32 s5;
	_ =	sdelay $0x1  }
0xa7: {  	s23 =	simm.s32 $0x1B8B  }
0xa8: {  	_ =	swait.ge [sflag:s23], $0x1  }
0xa9: {  	[sflag:s23] =	ssyncset.done $0x0  }
0xaa: {  	s25 =	simm.s32 $0x1B8E;
	s24 =	sld [smem:$0x3FFE];
	[sflag:s23] =	ssyncadd.s32 $0xFFFFFFFF  }
0xab: {  	s26 =	simm.s32 $execute0_lowered;
	[smem:$0x3FD2] =	sst s25  }
0xac: {  	s6 =	sshll.u32 s26, $0x1;
	_ =	strace $0x80000046;
	[dreg:$0x1] =	wrdreg $0xFFFFFFFF  }
0xad: {  	s28 =	simm.s32 $_size_execute0_lowered;
	s4 =	sadd.s32 s4, s6;
	[dreg:$0x0] =	wrdreg $0x0  }
0xae: {  	s6 =	sshll.u32 s28, $0x1;
	[dreg:$0x2] =	wrdreg s4  }
0xaf: {  	[dreg:$0x3] =	wrdreg s6  }
0xb0: {  	[dreg:$0x4] =	wrdreg $0xC0  }
0xb1: {  	_ =	task [dreg:s8], $0x5FFFF  }
0xb2: {  	[dreg:$0x1] =	wrdreg $0xFFFFFFFF  }
0xb3: {  	[dreg:$0x0] =	wrdreg $0x60  }
0xb4: {  	[dreg:$0x2] =	wrdreg s24  }
0xb5: {  	[dreg:$0x3] =	wrdreg s17  }
0xb6: {  	[dreg:$0x4] =	wrdreg s16  }
0xb7: {  	[dreg:$0x5] =	wrdreg $0x9  }
0xb8: {  	_ =	task.clear_ibuf [dreg:s8], $0x6FFFF;
	_ =	strace $0x90000046  }
0xb9: {  	s29 =	simm.s32 $0x9;
	_ =	strace $0x80000048  }
0xba: {  	_ =	swait.ge [sflag:s29], $0x1  }
0xbb: {  	[sflag:s29] =	ssyncadd.s32 $0xFFFFFFFF  }
0xbc: {  	_ =	strace $0x90000048  }
0xbd: {  	_ =	sfence  }
0xbe: {  	s30 =	sld [smem:$0x0];
	_ =	sdelay $0x2  }
0xbf: {  	s31 =	sshll.u32 s1, $0xD;
	s1 =	sshrl.u32 s1, $0x2  }
0xc0: {  	s3 =	sand.u32 $0x4000, s31;
	s1 =	sadd.s32 s1, s30  }
0xc1: {  	s0 =	sor.u32 s3, s0;
	s1 =	sshll.u32 s1, $0x11  }
0xc2: {  	s0 =	sor.u32 s1, s0  }
0xc3: {  	s0 =	sadd.s32 $0x8F2B, s0  }
0xc4: {  	[sflag:s0] =	ssyncadd.remote.s32 $0x1  }
0xc5: {  	_ =	sfence.sel $0xFFFF  }
0xc6: {  	[dreg:$0x0] =	wrdreg $0xFFFFFFFF;
	(pc) =	sbr.abs _section_cstart, $3  }
0xc7: {  	[dreg:$0x1] =	wrdreg $0xFFFFFFFF  }
0xc8: {  	_ =	task.clear_ibuf [dreg:s8], $0x2FFFF;
	_ =	strace $0x9FFFFFFF  }
0xc9: {  	(tm) =	ssettm $0x7FFFFFFF  }
tec
execute0_lowered:
.L_overlay_start_1:
0x0: {  	(tag) =	ssettag $0x1  }
0x1: {  	s1 =	srdreg.scid;
	s0 =	stileid.u32  }
0x2: {  	s5 =	rddreg [dreg:$0x0];
	s4 =	sand.u32 $0x1, s1;
	s24 =	sshll.u32 s0, $0x1  }
0x3: {  	s6 =	rddreg [dreg:$0x1];
	s2 =	sor.u32 s4, s24  }
0x4: {  	s7 =	rddreg [dreg:$0x2];
	p1 =	seq.s32 s4, $0x1;
	p0 =	seq.s32 s2, $0x0  }
0x5: {  	s14 =	simm.s32 $0x2800;
	s15 =	simm.s32 $0x2980;
	p0 =	por !p0, !p1  }
0x6: {  	s16 =	simm.s32 $0x0;
	s1 =	simm.s32 $0x1;
	p0 =	por !p0, !p0  }
0x7: {  	s12 =	sshll.u32 s4, $0x7;
	s26 =	ssub.s32 $0x2, s4;
	s1 =	simm.s32 @!p0 $0x0  }
0x8: {  	s29 =	smul.u32 $0x2800, s4;
	s28 =	sshrl.u32 s26, $0x1;
	s3 =	ssub.s32 s0, s1  }
0x9: {  	s1 =	rddreg [dreg:$0x3];
	s8 =	sshll.u32 s3, $0x1;
	s9 =	sshrl.u32 s3, $0x3  }
0xa: {  	s8 =	ssub.s32 s2, s8;
	s2 =	simm.s32 $0x0;
	s10 =	smul.u32 $0x28000, s9  }
0xb: {  	s11 =	sshrl.u32 s8, $0x1;
	[smem:$0x7FF] =	sst s2;
	s8 =	smul.u32 $0x14000, s8  }
0xc: {  	s9 =	sshll.u32 s9, $0xA;
	s11 =	sadd.s32 s3, s11;
	_ =	strace $0x80000047  }
0xd: {  	s3 =	sshll.u32 s3, $0x7;
	s11 =	smul.u32 $0x300, s11;
	s8 =	sadd.s32 s10, s8  }
0xe: {  	s25 =	sand.u32 $0x380, s3;
	s3 =	simm.s32 $0x1;
	s10 =	simm.s32 $0x80  }
0xf: {  	s8 =	sor.u32 s25, s8;
	s9 =	sor.u32 s25, s9;
	s11 =	sor.u32 s12, s11  }
0x10: {  	s8 =	sshrl.u32 s8, $0x3;
	s12 =	ssub.s32 s26, s28;
	s11 =	sshrl.u32 s11, $0x3  }
0x11: {  	s8 =	sadd.s32 s8, s5;
	s13 =	sadd.s32 s11, s5;
	s5 =	simm.s32 $0xFFFFFFFF  }
0x12: {  	s30 =	sshrl.u32 s9, $0x3;
	s4 =	sadd.s32 $0x1600, s8;
	s5 =	simm.s32 @!p0 $0x0  }
0x13: {  	s8 =	smax.u32 s12, $0x1;
	s12 =	simm.s32 $0x2B00;
	s31 =	smul.u32 $0x5000, s5  }
0x14: {  	s5 =	sadd.s32 s6, s30;
	s6 =	sadd.s32 s7, s11;
	s7 =	sadd.s32 $0xB600, s13  }
0x15: {  	v0 =	vimm.f32 $-Inf;
	v1 =	vimm.s32 $0x0;
	v2 =	vlaneseq.u32;
	s11 =	simm.s32 $0x400;
	s13 =	simm.s32 $0x100;
	s9 =	ssub.s32 s29, s31  }
.LBB2_1:
0x16: {  	[tilespmem:s2], [sflag:$0x1] =	stream.strided.gather [hbm4b:s4+s10], $0x2800, s11, s10, $0x38;
	[tilespmem:$0x2B80] =	vst v63  }
0x17: {  	_ =	swait.ge [sflag:s3], $0x2800  }
0x18: {  	[sflag:s3] =	ssyncset.done $0x0  }
0x19: {  	[sflag:s3] =	ssyncadd.s32 $0xFFFFD800  }
0x1a: {  	[tilespmem:s12], [sflag:$0x1] =	stream.linear.gather [hbm4b:s5+s2], $0x80, $0x38;
	[tilespmem:$0x2B80] =	vst v63  }
0x1b: {  	_ =	swait.ge [sflag:s3], $0x80  }
0x1c: {  	[sflag:s3] =	ssyncset.done $0x0  }
0x1d: {  	[sflag:s3] =	ssyncadd.s32 $0xFFFFFF80  }
0x1e: {  	[tilespmem:$0x2800] =	vst v0  }
0x1f: {  	[tilespmem:$0x2980] =	vst v1  }
0x20: {  	[tilespmem:$0x2810] =	vst v0  }
0x21: {  	[tilespmem:$0x2990] =	vst v1  }
0x22: {  	[tilespmem:$0x2820] =	vst v0  }
0x23: {  	[tilespmem:$0x29A0] =	vst v1  }
0x24: {  	[tilespmem:$0x2830] =	vst v0  }
0x25: {  	[tilespmem:$0x29B0] =	vst v1  }
0x26: {  	[tilespmem:$0x2840] =	vst v0  }
0x27: {  	[tilespmem:$0x29C0] =	vst v1  }
0x28: {  	[tilespmem:$0x2850] =	vst v0  }
0x29: {  	[tilespmem:$0x29D0] =	vst v1  }
0x2a: {  	[tilespmem:$0x2860] =	vst v0  }
0x2b: {  	[tilespmem:$0x29E0] =	vst v1  }
0x2c: {  	[tilespmem:$0x2870] =	vst v0  }
0x2d: {  	[tilespmem:$0x29F0] =	vst v1  }
0x2e: {  	[tilespmem:$0x2880] =	vst v0  }
0x2f: {  	[tilespmem:$0x2A00] =	vst v1  }
0x30: {  	[tilespmem:$0x2890] =	vst v0  }
0x31: {  	[tilespmem:$0x2A10] =	vst v1  }
0x32: {  	[tilespmem:$0x28A0] =	vst v0  }
0x33: {  	[tilespmem:$0x2A20] =	vst v1  }
0x34: {  	[tilespmem:$0x28B0] =	vst v0  }
0x35: {  	[tilespmem:$0x2A30] =	vst v1  }
0x36: {  	[tilespmem:$0x28C0] =	vst v0  }
0x37: {  	[tilespmem:$0x2A40] =	vst v1  }
0x38: {  	[tilespmem:$0x28D0] =	vst v0  }
0x39: {  	[tilespmem:$0x2A50] =	vst v1  }
0x3a: {  	[tilespmem:$0x28E0] =	vst v0  }
0x3b: {  	[tilespmem:$0x2A60] =	vst v1  }
0x3c: {  	[tilespmem:$0x28F0] =	vst v0  }
0x3d: {  	[tilespmem:$0x2A70] =	vst v1  }
0x3e: {  	[tilespmem:$0x2900] =	vst v0  }
0x3f: {  	[tilespmem:$0x2A80] =	vst v1  }
0x40: {  	[tilespmem:$0x2910] =	vst v0  }
0x41: {  	[tilespmem:$0x2A90] =	vst v1  }
0x42: {  	[tilespmem:$0x2920] =	vst v0  }
0x43: {  	[tilespmem:$0x2AA0] =	vst v1  }
0x44: {  	[tilespmem:$0x2930] =	vst v0  }
0x45: {  	s17 =	simm.s32 $0x0;
	v3 =	vld [tilespmem:$0x2B00];
	[tilespmem:$0x2AB0] =	vst v1  }
0x46: {  	v4 =	vld [tilespmem:s17+$0x0];
	_ =	sdelay $0x4  }
0x47: {  	vm0 =	vge.f32 v4, v3  }
0x48: {  	v5 =	vsel vm0, $0x1, v1  }
0x49: {  	(xrf0) =	vadd.scan.msk.s32 $0xffff, v5;
	_ =	sdelay $0x5  }
0x4a: {  	v5, _, _ =	vpop (xrf0)  }
0x4b: {  	(v2sf) =	vpush v5, $0xF;
	_ =	sdelay $0x1  }
0x4c: {  	s20 =	simm.s32 $0x10;
	[tilespmem:s2+$0x2800] =	vst.msk vm0, v4;
	v4 =	vor.u32 s9, v2  }
0x4d: {  	s19 =	simm.s32 $0x80;
	s18 =	simm.s32 $0x0;
	s17 =	smov.u32 s9;
	[tilespmem:s2+$0x2980] =	vst.msk vm0, v4  }
.LBB2_2:
0x4e: {  	p0 =	sne.s32 s19, $0x9FC0;
	v4 =	vld [tilespmem:s20+$0x0];
	_ =	sdelay $0x4  }
0x4f: {  	vm0 =	vge.f32 v4, v3  }
0x50: {  	v5 =	vsel vm0, $0x1, v1  }
0x51: {  	(xrf0) =	vadd.scan.msk.s32 $0xffff, v5;
	_ =	sdelay $0x3  }
0x52: {  	s20 =	spop (v2sf)  }
0x53: {  	s18 =	sadd.s32 s18, s20  }
.Ltmp0:
0x54: {  	v5, _, _ =	vpop (xrf0);
	p1 =	slt.s32 s18, $0x130;
	(pc) =	sbr.rel @p0 .LBB2_2-.Ltmp0, $4  }
0x55: {  	s17 =	sadd.s32 $0x10, s17;
	(v2sf) =	vpush v5, $0xF;
	s18 =	simm.s32 @!p1 $0x130  }
0x56: {  	v5 =	vor.u32 s17, v2;
	[tilespmem:s18+$0x2800] =	vst.msk vm0, v4  }
0x57: {  	[tilespmem:s18+$0x2980] =	vst.msk vm0, v5  }
0x58: {  	s20 =	sshra.s32 s19, $0x2;
	s19 =	sadd.s32 $0x40, s19  }
0x59: {  	v4 =	vld [tilespmem:s20+$0x0];
	_ =	sdelay $0x4  }
0x5a: {  	vm0 =	vge.f32 v4, v3  }
0x5b: {  	v3 =	vsel vm0, $0x1, v1  }
0x5c: {  	(xrf0) =	vadd.scan.msk.s32 $0xffff, v3;
	_ =	sdelay $0x5  }
0x5d: {  	v3, _, _ =	vpop (xrf0)  }
0x5e: {  	(v2sf) =	vpush v3, $0xF;
	_ =	sdelay $0x7  }
0x5f: {  	s19 =	spop (v2sf)  }
0x60: {  	s18 =	sadd.s32 s18, s19  }
0x61: {  	p0 =	slt.s32 s18, $0x130  }
0x62: {  	s17 =	sadd.s32 $0x10, s17;
	s18 =	simm.s32 @!p0 $0x130  }
0x63: {  	v3 =	vor.u32 s17, v2;
	[tilespmem:s18+$0x2800] =	vst.msk vm0, v4  }
0x64: {  	[tilespmem:s18+$0x2980] =	vst.msk vm0, v3  }
0x65: {  	[hbm4b:s6+s10] =	stream.strided.scatter [tilespmem:s14], [sflag:$0x1], $0x180, s13, s10, $0x38;
	[tilespmem:$0x2B80] =	vst v63  }
0x66: {  	s31 =	spop (v2sf)  }
0x67: {  	s16 =	sadd.s32 $0x1, s16;
	_ =	swait.ge [sflag:s3], $0x180  }
0x68: {  	p0 =	sne.s32 s16, s8;
	[sflag:s3] =	ssyncset.done $0x0  }
.Ltmp1:
0x69: {  	[sflag:s3] =	ssyncadd.s32 $0xFFFFFE80;
	(pc) =	sbr.rel @p0 .LBB2_1-.Ltmp1, $4  }
0x6a: {  	[hbm4b:s7+s10] =	stream.strided.scatter [tilespmem:s15], [sflag:$0x1], $0x180, s13, s10, $0x38;
	[tilespmem:$0x2B80] =	vst v63  }
0x6b: {  	_ =	swait.ge [sflag:s3], $0x180  }
0x6c: {  	[sflag:s3] =	ssyncset.done $0x0  }
0x6d: {  	[sflag:s3] =	ssyncadd.s32 $0xFFFFFE80  }
0x6e: {  	_ =	sfence.sel $0x180000  }
0x6f: {  	[bflag:$0x0] =	sbarrier.arrive $0xFFFF  }
0x70: {  	p0 =	sne.s32 s0, $0x0;
	_ =	strace $0x90000047  }
0x71: {  	s0 =	sadd.s32 @!p0 $0x100000, s1;
	[bflag:$0x2] =	sbarrier.arrive $0xFFFF  }
0x72: {  	[sflag:s0] =	ssyncadd.tile.s32 @!p0 $0x1;
	_ =	shalt  }
.Lfunc_end2:
_tile_overlayer_lowered:
.L_overlay_start_2:
0x73: {  	(tag) =	ssettag $0x2  }
0x74: {  	s0 =	rddreg [dreg:$0x0];
	s2 =	stileid.u32  }
0x75: {  	s1 =	rddreg [dreg:$0x1];
	p0 =	sne.s32 s2, $0x0  }
0x76: {  	s3 =	rddreg [dreg:$0x2];
	[bflag:$0x3] =	sbarrier.arrive $0xFFFF;
	s2 =	simm.s32 @!p0 $0x1C01  }
0x77: {  	[timem:s3], [sflag:s2] =	dma.local @!p0 [hbm:s0], s1  }
0x78: {  	s0 =	simm.s32 @!p0 $0x1  }
0x79: {  	_ =	swait.ge @!p0 [sflag:s0], s1  }
0x7a: {  	s1 =	ssub.s32 @!p0 $0x0, s1;
	[sflag:s0] =	ssyncset.done @!p0 $0x0  }
0x7b: {  	[sflag:s0] =	ssyncadd.s32 @!p0 s1  }
0x7c: {  	[bflag:$0x3] =	sbarrier.arrive $0xFFFF  }
0x7d: {  	_ =	shalt  }

</sc_bundles>
